<compile_context>
chip_gen: v7x
topology: tpu7x:2x2x1
jax: 0.10.2.dev20260603
libtpu: 0.0.44.dev20260713+nightly
codegen_flags: <defaults>
</compile_context>

<pallas_src>
import functools

import jax
import jax.numpy as jnp
from jax import lax
from jax.experimental import pallas as pl
from jax.experimental.pallas import tpu as pltpu
from jax.experimental.pallas import tpu_sc as plsc

NC = 2
NS = 16
NW = NC * NS

B = 4096
T = 50
D = 128
W = B // NW
NBUF = 5


V = 1000
CHUNK = 64
LAST = V - CHUNK * (NS - 1)


def _gather_body(table_hbm, idx_hbm, out_hbm, idx_v, buf, tab_sh, *sg):
    sid = lax.axis_index("s")
    wid = sid * NC + lax.axis_index("c")
    base = wid * W

    @pl.when(sid < NS - 1)
    def _stage():
        pltpu.sync_copy(table_hbm.at[pl.ds(sid * CHUNK, CHUNK)],
                        tab_sh.at[pl.ds(sid * CHUNK, CHUNK)])

    @pl.when(sid == NS - 1)
    def _stage_last():
        pltpu.sync_copy(table_hbm.at[pl.ds(CHUNK * (NS - 1), LAST)],
                        tab_sh.at[pl.ds(CHUNK * (NS - 1), LAST)])

    @pl.when(sid == 0)
    def _zero_row0():
        for k in range(D // 16):
            buf[0, 0, pl.ds(k * 16, 16)] = jnp.zeros((16,), jnp.float32)
        pltpu.sync_copy(buf.at[0, 0], tab_sh.at[0])

    pltpu.sync_copy(idx_hbm.at[:, pl.ds(base, W)], idx_v)
    plsc.subcore_barrier()

    def start_gather(t, b):
        pltpu.async_copy(tab_sh.at[idx_v.at[t]], buf.at[b], sg[b])

    def wait_gather(t, b):
        pltpu.make_async_copy(
            tab_sh.at[idx_v.at[t]], buf.at[b], sg[b]).wait()

    def scatter(t, b):
        pltpu.sync_copy(buf.at[b], out_hbm.at[t, pl.ds(base, W)])

    for b in range(NBUF):
        start_gather(b, b)

    def outer(i, carry):
        t0 = i * NBUF
        for b in range(NBUF):
            t = t0 + b
            wait_gather(t, b)
            scatter(t, b)
            start_gather(t + NBUF, b)
        return carry

    lax.fori_loop(0, T // NBUF - 1, outer, 0)

    for b in range(NBUF):
        t = T - NBUF + b
        wait_gather(t, b)
        scatter(t, b)


@jax.jit
def _lookup(time_features, table):
    mesh = plsc.VectorSubcoreMesh(core_axis_name="c", subcore_axis_name="s")
    call = functools.partial(
        pl.kernel,
        mesh=mesh,
        out_type=jax.ShapeDtypeStruct((T, B, D), jnp.float32),
        scratch_types=[
            pltpu.VMEM((T, W), jnp.int32),
            pltpu.VMEM((NBUF, W, D), jnp.float32),
            pltpu.VMEM_SHARED((V, D), jnp.float32),
        ] + [pltpu.SemaphoreType.DMA] * NBUF,
    )(_gather_body)
    out_tbd = call(table, time_features.T)
    return jnp.transpose(out_tbd, (1, 0, 2))


def kernel(time_features, table):
    return _lookup(time_features, table)

# --- scband reference (transcript-rebuilt; emitter-appended) ---
"""Pipeline reference for scband-time-embeddings-12979391169238 (READ-ONLY COPY).

The authoritative reference and input builder live on the scoring server;
editing this copy changes nothing except your own understanding.
"""

import jax, jax.numpy as jnp
import numpy as np


def setup_inputs(seed: int = 0) -> dict:
    key = jax.random.key(seed)
    k1, k2 = jax.random.split(key)
    time_features = jax.random.randint(k1, (4096, 50), 0, 1000, dtype=jnp.int32)
    # Embedding table for nn.Embedding(num_embeddings=1000, embedding_dim=128, padding_idx=0)
    table = jax.random.normal(k2, (1000, 128), dtype=jnp.float32)
    table = table.at[0].set(0.0)  # padding_idx=0 row is zero-initialized
    return {"time_features": time_features, "table": table}


def reference(time_features, table):
    # nn.Embedding lookup with padding_idx=0: output rows for idx==0 are zeros
    embed = jnp.take(table, time_features, axis=0)
    mask = (time_features != 0)[..., None].astype(embed.dtype)
    return embed * mask

if __name__ == "__main__":
    import jax
    _d = setup_inputs()
    print(jax.jit(kernel)(*tuple(_d.values())))

</pallas_src>

<mosaic_0001>
#map = affine_map<(d0, d1) -> (0, 0)>
#map1 = affine_map<(d0, d1) -> (0, 0, 0)>
module attributes {stable_mosaic.version = 14 : i64} {
  func.func @_gather_body(%arg0: i32, %arg1: i32, %arg2: memref<1000x128xf32, #tpu.memory_space<hbm>>, %arg3: memref<50x4096xi32, #tpu.memory_space<hbm>>, %arg4: memref<50x4096x128xf32, #tpu.memory_space<hbm>>, %arg5: memref<50x128xi32, #tpu.memory_space<vmem>>, %arg6: memref<5x128x128xf32, #tpu.memory_space<vmem>>, %arg7: memref<1000x128xf32, #tpu.memory_space<vmem_shared>>, %arg8: memref<!tpu.dma_semaphore, #tpu.memory_space<semaphore_mem>>, %arg9: memref<!tpu.dma_semaphore, #tpu.memory_space<semaphore_mem>>, %arg10: memref<!tpu.dma_semaphore, #tpu.memory_space<semaphore_mem>>, %arg11: memref<!tpu.dma_semaphore, #tpu.memory_space<semaphore_mem>>, %arg12: memref<!tpu.dma_semaphore, #tpu.memory_space<semaphore_mem>>) attributes {dimension_semantics = [#tpu.dimension_semantics<core_parallel>, #tpu.dimension_semantics<subcore_parallel>], iteration_bounds = array<i64: 2, 16>, scalar_prefetch = 0 : i64, scratch_operands = 8 : i64, tpu.core_type = #tpu.core_type<sc_vector_subcore>, window_params = [{transform_indices = #map}, {transform_indices = #map}, {transform_indices = #map1}]} {
    %mul3A = arith.constant 2 : i32
    %mul3A_0 = arith.muli %arg1, %mul3A : i32
    %add3A = arith.addi %mul3A_0, %arg0 : i32
    %mul3A_1 = arith.constant 128 : i32
    %mul3A_2 = arith.muli %add3A, %mul3A_1 : i32
    %lt3A = arith.constant 15 : i32
    %lt3A_3 = arith.cmpi slt, %arg1, %lt3A : i32
    %convert_element_type3A = arith.extui %lt3A_3 : i1 to i32
    %cond3A = arith.constant 0 : i32
    %cond3A_4 = arith.cmpi ne, %convert_element_type3A, %cond3A : i32
    scf.if %cond3A_4 {
      %mul3A_146 = arith.constant 64 : i32
      %mul3A_147 = arith.muli %arg1, %mul3A_146 : i32
      %mul3A_148 = arith.constant 64 : i32
      %mul3A_149 = arith.muli %arg1, %mul3A_148 : i32
      "tpu.region"() ({
        %run_scoped3A_150 = tpu.sem_alloc : memref<!tpu.dma_semaphore, #tpu.memory_space<semaphore_mem>>
        %dma_start3A_151 = arith.constant 0 : i32
        %dma_start3A_152 = tpu.memref_slice %arg7[%mul3A_149, %dma_start3A_151] : memref<1000x128xf32, #tpu.memory_space<vmem_shared>> -> memref<64x128xf32, #tpu.memory_space<vmem_shared>>
        %dma_start3A_153 = arith.constant 0 : i32
        %dma_start3A_154 = tpu.memref_slice %arg2[%mul3A_147, %dma_start3A_153] : memref<1000x128xf32, #tpu.memory_space<hbm>> -> memref<64x128xf32, #tpu.memory_space<hbm>>
        tpu.enqueue_dma source(%dma_start3A_154 : memref<64x128xf32, #tpu.memory_space<hbm>>) target(%dma_start3A_152 : memref<64x128xf32, #tpu.memory_space<vmem_shared>>) target_semaphore(%run_scoped3A_150 : memref<!tpu.dma_semaphore, #tpu.memory_space<semaphore_mem>>)
        %dma_wait3A_155 = arith.constant 0 : i32
        %dma_wait3A_156 = tpu.memref_slice %arg7[%mul3A_149, %dma_wait3A_155] : memref<1000x128xf32, #tpu.memory_space<vmem_shared>> -> memref<64x128xf32, #tpu.memory_space<vmem_shared>>
        %dma_wait3A_157 = arith.constant 0 : i32
        %dma_wait3A_158 = tpu.memref_slice %arg2[%mul3A_147, %dma_wait3A_157] : memref<1000x128xf32, #tpu.memory_space<hbm>> -> memref<64x128xf32, #tpu.memory_space<hbm>>
        tpu.wait_dma2 semaphore(%run_scoped3A_150 : memref<!tpu.dma_semaphore, #tpu.memory_space<semaphore_mem>>) src(%dma_wait3A_158 : memref<64x128xf32, #tpu.memory_space<hbm>>) dst(%dma_wait3A_156 : memref<64x128xf32, #tpu.memory_space<vmem_shared>>)
        tpu.yield
      }) : () -> ()
    } else {
    }
    %eq3A = arith.constant 15 : i32
    %eq3A_5 = arith.cmpi eq, %arg1, %eq3A : i32
    %convert_element_type3A_6 = arith.extui %eq3A_5 : i1 to i32
    %cond3A_7 = arith.constant 0 : i32
    %cond3A_8 = arith.cmpi ne, %convert_element_type3A_6, %cond3A_7 : i32
    scf.if %cond3A_8 {
      "tpu.region"() ({
        %run_scoped3A_146 = tpu.sem_alloc : memref<!tpu.dma_semaphore, #tpu.memory_space<semaphore_mem>>
        %dma_start3A_147 = arith.constant 960 : i32
        %dma_start3A_148 = arith.constant 0 : i32
        %dma_start3A_149 = tpu.memref_slice %arg7[%dma_start3A_147, %dma_start3A_148] : memref<1000x128xf32, #tpu.memory_space<vmem_shared>> -> memref<40x128xf32, #tpu.memory_space<vmem_shared>>
        %dma_start3A_150 = arith.constant 960 : i32
        %dma_start3A_151 = arith.constant 0 : i32
        %dma_start3A_152 = tpu.memref_slice %arg2[%dma_start3A_150, %dma_start3A_151] : memref<1000x128xf32, #tpu.memory_space<hbm>> -> memref<40x128xf32, #tpu.memory_space<hbm>>
        tpu.enqueue_dma source(%dma_start3A_152 : memref<40x128xf32, #tpu.memory_space<hbm>>) target(%dma_start3A_149 : memref<40x128xf32, #tpu.memory_space<vmem_shared>>) target_semaphore(%run_scoped3A_146 : memref<!tpu.dma_semaphore, #tpu.memory_space<semaphore_mem>>)
        %dma_wait3A_153 = arith.constant 960 : i32
        %dma_wait3A_154 = arith.constant 0 : i32
        %dma_wait3A_155 = tpu.memref_slice %arg7[%dma_wait3A_153, %dma_wait3A_154] : memref<1000x128xf32, #tpu.memory_space<vmem_shared>> -> memref<40x128xf32, #tpu.memory_space<vmem_shared>>
        %dma_wait3A_156 = arith.constant 960 : i32
        %dma_wait3A_157 = arith.constant 0 : i32
        %dma_wait3A_158 = tpu.memref_slice %arg2[%dma_wait3A_156, %dma_wait3A_157] : memref<1000x128xf32, #tpu.memory_space<hbm>> -> memref<40x128xf32, #tpu.memory_space<hbm>>
        tpu.wait_dma2 semaphore(%run_scoped3A_146 : memref<!tpu.dma_semaphore, #tpu.memory_space<semaphore_mem>>) src(%dma_wait3A_158 : memref<40x128xf32, #tpu.memory_space<hbm>>) dst(%dma_wait3A_155 : memref<40x128xf32, #tpu.memory_space<vmem_shared>>)
        tpu.yield
      }) : () -> ()
    } else {
    }
    %eq3A_9 = arith.constant 0 : i32
    %eq3A_10 = arith.cmpi eq, %arg1, %eq3A_9 : i32
    %convert_element_type3A_11 = arith.extui %eq3A_10 : i1 to i32
    %cond3A_12 = arith.constant 0 : i32
    %cond3A_13 = arith.cmpi ne, %convert_element_type3A_11, %cond3A_12 : i32
    scf.if %cond3A_13 {
      %broadcast_in_dim3A = arith.constant 0.000000e+00 : f32
      %broadcast_in_dim3A_146 = vector.broadcast %broadcast_in_dim3A : f32 to vector<16xf32>
      %swap3A = arith.constant 0 : i32
      %swap3A_147 = arith.constant 0 : i32
      %swap3A_148 = arith.index_cast %swap3A : i32 to index
      %swap3A_149 = arith.index_cast %swap3A_147 : i32 to index
      %swap3A_150 = arith.constant 0 : index
      %swap3A_151 = tpu.vector_load %arg6[%swap3A_148, %swap3A_149, %swap3A_150] {strides = array<i32>} : memref<5x128x128xf32, #tpu.memory_space<vmem>>, vector<1x1x16xf32>,
      %swap3A_152 = vector.shape_cast %swap3A_151 : vector<1x1x16xf32> to vector<16xf32>
      %swap3A_153 = vector.shape_cast %broadcast_in_dim3A_146 : vector<16xf32> to vector<1x1x16xf32>
      tpu.vector_store %arg6[%swap3A_148, %swap3A_149, %swap3A_150], %swap3A_153 {strides = array<i32>} : memref<5x128x128xf32, #tpu.memory_space<vmem>>, vector<1x1x16xf32>,
      %broadcast_in_dim3A_154 = arith.constant 0.000000e+00 : f32
      %broadcast_in_dim3A_155 = vector.broadcast %broadcast_in_dim3A_154 : f32 to vector<16xf32>
      %swap3A_156 = arith.constant 0 : i32
      %swap3A_157 = arith.constant 0 : i32
      %swap3A_158 = arith.index_cast %swap3A_156 : i32 to index
      %swap3A_159 = arith.index_cast %swap3A_157 : i32 to index
      %swap3A_160 = arith.constant 16 : index
      %swap3A_161 = tpu.vector_load %arg6[%swap3A_158, %swap3A_159, %swap3A_160] {strides = array<i32>} : memref<5x128x128xf32, #tpu.memory_space<vmem>>, vector<1x1x16xf32>,
      %swap3A_162 = vector.shape_cast %swap3A_161 : vector<1x1x16xf32> to vector<16xf32>
      %swap3A_163 = vector.shape_cast %broadcast_in_dim3A_155 : vector<16xf32> to vector<1x1x16xf32>
      tpu.vector_store %arg6[%swap3A_158, %swap3A_159, %swap3A_160], %swap3A_163 {strides = array<i32>} : memref<5x128x128xf32, #tpu.memory_space<vmem>>, vector<1x1x16xf32>,
      %broadcast_in_dim3A_164 = arith.constant 0.000000e+00 : f32
      %broadcast_in_dim3A_165 = vector.broadcast %broadcast_in_dim3A_164 : f32 to vector<16xf32>
      %swap3A_166 = arith.constant 0 : i32
      %swap3A_167 = arith.constant 0 : i32
      %swap3A_168 = arith.index_cast %swap3A_166 : i32 to index
      %swap3A_169 = arith.index_cast %swap3A_167 : i32 to index
      %swap3A_170 = arith.constant 32 : index
      %swap3A_171 = tpu.vector_load %arg6[%swap3A_168, %swap3A_169, %swap3A_170] {strides = array<i32>} : memref<5x128x128xf32, #tpu.memory_space<vmem>>, vector<1x1x16xf32>,
      %swap3A_172 = vector.shape_cast %swap3A_171 : vector<1x1x16xf32> to vector<16xf32>
      %swap3A_173 = vector.shape_cast %broadcast_in_dim3A_165 : vector<16xf32> to vector<1x1x16xf32>
      tpu.vector_store %arg6[%swap3A_168, %swap3A_169, %swap3A_170], %swap3A_173 {strides = array<i32>} : memref<5x128x128xf32, #tpu.memory_space<vmem>>, vector<1x1x16xf32>,
      %broadcast_in_dim3A_174 = arith.constant 0.000000e+00 : f32
      %broadcast_in_dim3A_175 = vector.broadcast %broadcast_in_dim3A_174 : f32 to vector<16xf32>
      %swap3A_176 = arith.constant 0 : i32
      %swap3A_177 = arith.constant 0 : i32
      %swap3A_178 = arith.index_cast %swap3A_176 : i32 to index
      %swap3A_179 = arith.index_cast %swap3A_177 : i32 to index
      %swap3A_180 = arith.constant 48 : index
      %swap3A_181 = tpu.vector_load %arg6[%swap3A_178, %swap3A_179, %swap3A_180] {strides = array<i32>} : memref<5x128x128xf32, #tpu.memory_space<vmem>>, vector<1x1x16xf32>,
      %swap3A_182 = vector.shape_cast %swap3A_181 : vector<1x1x16xf32> to vector<16xf32>
      %swap3A_183 = vector.shape_cast %broadcast_in_dim3A_175 : vector<16xf32> to vector<1x1x16xf32>
      tpu.vector_store %arg6[%swap3A_178, %swap3A_179, %swap3A_180], %swap3A_183 {strides = array<i32>} : memref<5x128x128xf32, #tpu.memory_space<vmem>>, vector<1x1x16xf32>,
      %broadcast_in_dim3A_184 = arith.constant 0.000000e+00 : f32
      %broadcast_in_dim3A_185 = vector.broadcast %broadcast_in_dim3A_184 : f32 to vector<16xf32>
      %swap3A_186 = arith.constant 0 : i32
      %swap3A_187 = arith.constant 0 : i32
      %swap3A_188 = arith.index_cast %swap3A_186 : i32 to index
      %swap3A_189 = arith.index_cast %swap3A_187 : i32 to index
      %swap3A_190 = arith.constant 64 : index
      %swap3A_191 = tpu.vector_load %arg6[%swap3A_188, %swap3A_189, %swap3A_190] {strides = array<i32>} : memref<5x128x128xf32, #tpu.memory_space<vmem>>, vector<1x1x16xf32>,
      %swap3A_192 = vector.shape_cast %swap3A_191 : vector<1x1x16xf32> to vector<16xf32>
      %swap3A_193 = vector.shape_cast %broadcast_in_dim3A_185 : vector<16xf32> to vector<1x1x16xf32>
      tpu.vector_store %arg6[%swap3A_188, %swap3A_189, %swap3A_190], %swap3A_193 {strides = array<i32>} : memref<5x128x128xf32, #tpu.memory_space<vmem>>, vector<1x1x16xf32>,
      %broadcast_in_dim3A_194 = arith.constant 0.000000e+00 : f32
      %broadcast_in_dim3A_195 = vector.broadcast %broadcast_in_dim3A_194 : f32 to vector<16xf32>
      %swap3A_196 = arith.constant 0 : i32
      %swap3A_197 = arith.constant 0 : i32
      %swap3A_198 = arith.index_cast %swap3A_196 : i32 to index
      %swap3A_199 = arith.index_cast %swap3A_197 : i32 to index
      %swap3A_200 = arith.constant 80 : index
      %swap3A_201 = tpu.vector_load %arg6[%swap3A_198, %swap3A_199, %swap3A_200] {strides = array<i32>} : memref<5x128x128xf32, #tpu.memory_space<vmem>>, vector<1x1x16xf32>,
      %swap3A_202 = vector.shape_cast %swap3A_201 : vector<1x1x16xf32> to vector<16xf32>
      %swap3A_203 = vector.shape_cast %broadcast_in_dim3A_195 : vector<16xf32> to vector<1x1x16xf32>
      tpu.vector_store %arg6[%swap3A_198, %swap3A_199, %swap3A_200], %swap3A_203 {strides = array<i32>} : memref<5x128x128xf32, #tpu.memory_space<vmem>>, vector<1x1x16xf32>,
      %broadcast_in_dim3A_204 = arith.constant 0.000000e+00 : f32
      %broadcast_in_dim3A_205 = vector.broadcast %broadcast_in_dim3A_204 : f32 to vector<16xf32>
      %swap3A_206 = arith.constant 0 : i32
      %swap3A_207 = arith.constant 0 : i32
      %swap3A_208 = arith.index_cast %swap3A_206 : i32 to index
      %swap3A_209 = arith.index_cast %swap3A_207 : i32 to index
      %swap3A_210 = arith.constant 96 : index
      %swap3A_211 = tpu.vector_load %arg6[%swap3A_208, %swap3A_209, %swap3A_210] {strides = array<i32>} : memref<5x128x128xf32, #tpu.memory_space<vmem>>, vector<1x1x16xf32>,
      %swap3A_212 = vector.shape_cast %swap3A_211 : vector<1x1x16xf32> to vector<16xf32>
      %swap3A_213 = vector.shape_cast %broadcast_in_dim3A_205 : vector<16xf32> to vector<1x1x16xf32>
      tpu.vector_store %arg6[%swap3A_208, %swap3A_209, %swap3A_210], %swap3A_213 {strides = array<i32>} : memref<5x128x128xf32, #tpu.memory_space<vmem>>, vector<1x1x16xf32>,
      %broadcast_in_dim3A_214 = arith.constant 0.000000e+00 : f32
      %broadcast_in_dim3A_215 = vector.broadcast %broadcast_in_dim3A_214 : f32 to vector<16xf32>
      %swap3A_216 = arith.constant 0 : i32
      %swap3A_217 = arith.constant 0 : i32
      %swap3A_218 = arith.index_cast %swap3A_216 : i32 to index
      %swap3A_219 = arith.index_cast %swap3A_217 : i32 to index
      %swap3A_220 = arith.constant 112 : index
      %swap3A_221 = tpu.vector_load %arg6[%swap3A_218, %swap3A_219, %swap3A_220] {strides = array<i32>} : memref<5x128x128xf32, #tpu.memory_space<vmem>>, vector<1x1x16xf32>,
      %swap3A_222 = vector.shape_cast %swap3A_221 : vector<1x1x16xf32> to vector<16xf32>
      %swap3A_223 = vector.shape_cast %broadcast_in_dim3A_215 : vector<16xf32> to vector<1x1x16xf32>
      tpu.vector_store %arg6[%swap3A_218, %swap3A_219, %swap3A_220], %swap3A_223 {strides = array<i32>} : memref<5x128x128xf32, #tpu.memory_space<vmem>>, vector<1x1x16xf32>,
      %run_scoped3A_224 = arith.constant 0 : i32
      %run_scoped3A_225 = arith.constant 0 : i32
      %run_scoped3A_226 = arith.constant 0 : i32
      "tpu.region"() ({
        %run_scoped3A_227 = tpu.sem_alloc : memref<!tpu.dma_semaphore, #tpu.memory_space<semaphore_mem>>
        %dma_start3A_228 = arith.constant 0 : i32
        %dma_start3A_229 = tpu.memref_slice %arg6[%run_scoped3A_224, %run_scoped3A_225, %dma_start3A_228] : memref<5x128x128xf32, #tpu.memory_space<vmem>> -> memref<1x1x128xf32, #tpu.memory_space<vmem>>
        %dma_start3A_230 = tpu.memref_squeeze %dma_start3A_229 : memref<1x1x128xf32, #tpu.memory_space<vmem>> -> memref<128xf32, #tpu.memory_space<vmem>>
        %dma_start3A_231 = arith.constant 0 : i32
        %dma_start3A_232 = tpu.memref_slice %arg7[%run_scoped3A_226, %dma_start3A_231] : memref<1000x128xf32, #tpu.memory_space<vmem_shared>> -> memref<1x128xf32, #tpu.memory_space<vmem_shared>>
        %dma_start3A_233 = tpu.memref_squeeze %dma_start3A_232 : memref<1x128xf32, #tpu.memory_space<vmem_shared>> -> memref<128xf32, #tpu.memory_space<vmem_shared>>
        %dma_start3A_234 = arith.constant 0 : i32
        %dma_start3A_235 = tpu.memref_slice %arg7[%run_scoped3A_226, %dma_start3A_234] : memref<1000x128xf32, #tpu.memory_space<vmem_shared>> -> memref<1x128xf32, #tpu.memory_space<vmem_shared>>
        %dma_start3A_236 = tpu.memref_squeeze %dma_start3A_235 : memref<1x128xf32, #tpu.memory_space<vmem_shared>> -> memref<128xf32, #tpu.memory_space<vmem_shared>>
        %dma_start3A_237 = arith.constant 0 : i32
        %dma_start3A_238 = tpu.memref_slice %arg6[%run_scoped3A_224, %run_scoped3A_225, %dma_start3A_237] : memref<5x128x128xf32, #tpu.memory_space<vmem>> -> memref<1x1x128xf32, #tpu.memory_space<vmem>>
        %dma_start3A_239 = tpu.memref_squeeze %dma_start3A_238 : memref<1x1x128xf32, #tpu.memory_space<vmem>> -> memref<128xf32, #tpu.memory_space<vmem>>
        tpu.enqueue_dma source(%dma_start3A_239 : memref<128xf32, #tpu.memory_space<vmem>>) target(%dma_start3A_236 : memref<128xf32, #tpu.memory_space<vmem_shared>>) target_semaphore(%run_scoped3A_227 : memref<!tpu.dma_semaphore, #tpu.memory_space<semaphore_mem>>)
        %dma_wait3A_240 = arith.constant 0 : i32
        %dma_wait3A_241 = tpu.memref_slice %arg6[%run_scoped3A_224, %run_scoped3A_225, %dma_wait3A_240] : memref<5x128x128xf32, #tpu.memory_space<vmem>> -> memref<1x1x128xf32, #tpu.memory_space<vmem>>
        %dma_wait3A_242 = tpu.memref_squeeze %dma_wait3A_241 : memref<1x1x128xf32, #tpu.memory_space<vmem>> -> memref<128xf32, #tpu.memory_space<vmem>>
        %dma_wait3A_243 = arith.constant 0 : i32
        %dma_wait3A_244 = tpu.memref_slice %arg7[%run_scoped3A_226, %dma_wait3A_243] : memref<1000x128xf32, #tpu.memory_space<vmem_shared>> -> memref<1x128xf32, #tpu.memory_space<vmem_shared>>
        %dma_wait3A_245 = tpu.memref_squeeze %dma_wait3A_244 : memref<1x128xf32, #tpu.memory_space<vmem_shared>> -> memref<128xf32, #tpu.memory_space<vmem_shared>>
        %dma_wait3A_246 = arith.constant 0 : i32
        %dma_wait3A_247 = tpu.memref_slice %arg7[%run_scoped3A_226, %dma_wait3A_246] : memref<1000x128xf32, #tpu.memory_space<vmem_shared>> -> memref<1x128xf32, #tpu.memory_space<vmem_shared>>
        %dma_wait3A_248 = tpu.memref_squeeze %dma_wait3A_247 : memref<1x128xf32, #tpu.memory_space<vmem_shared>> -> memref<128xf32, #tpu.memory_space<vmem_shared>>
        %dma_wait3A_249 = arith.constant 0 : i32
        %dma_wait3A_250 = tpu.memref_slice %arg6[%run_scoped3A_224, %run_scoped3A_225, %dma_wait3A_249] : memref<5x128x128xf32, #tpu.memory_space<vmem>> -> memref<1x1x128xf32, #tpu.memory_space<vmem>>
        %dma_wait3A_251 = tpu.memref_squeeze %dma_wait3A_250 : memref<1x1x128xf32, #tpu.memory_space<vmem>> -> memref<128xf32, #tpu.memory_space<vmem>>
        tpu.wait_dma2 semaphore(%run_scoped3A_227 : memref<!tpu.dma_semaphore, #tpu.memory_space<semaphore_mem>>) src(%dma_wait3A_251 : memref<128xf32, #tpu.memory_space<vmem>>) dst(%dma_wait3A_248 : memref<128xf32, #tpu.memory_space<vmem_shared>>)
        tpu.yield
      }) : () -> ()
    } else {
    }
    "tpu.region"() ({
      %run_scoped3A_146 = tpu.sem_alloc : memref<!tpu.dma_semaphore, #tpu.memory_space<semaphore_mem>>
      %dma_start3A_147 = arith.constant 0 : i32
      %dma_start3A_148 = tpu.memref_slice %arg3[%dma_start3A_147, %mul3A_2] : memref<50x4096xi32, #tpu.memory_space<hbm>> -> memref<50x128xi32, #tpu.memory_space<hbm>>
      %dma_start3A_149 = arith.constant 0 : i32
      %dma_start3A_150 = tpu.memref_slice %arg3[%dma_start3A_149, %mul3A_2] : memref<50x4096xi32, #tpu.memory_space<hbm>> -> memref<50x128xi32, #tpu.memory_space<hbm>>
      tpu.enqueue_dma source(%dma_start3A_150 : memref<50x128xi32, #tpu.memory_space<hbm>>) target(%arg5 : memref<50x128xi32, #tpu.memory_space<vmem>>) target_semaphore(%run_scoped3A_146 : memref<!tpu.dma_semaphore, #tpu.memory_space<semaphore_mem>>)
      %dma_wait3A_151 = arith.constant 0 : i32
      %dma_wait3A_152 = tpu.memref_slice %arg3[%dma_wait3A_151, %mul3A_2] : memref<50x4096xi32, #tpu.memory_space<hbm>> -> memref<50x128xi32, #tpu.memory_space<hbm>>
      %dma_wait3A_153 = arith.constant 0 : i32
      %dma_wait3A_154 = tpu.memref_slice %arg3[%dma_wait3A_153, %mul3A_2] : memref<50x4096xi32, #tpu.memory_space<hbm>> -> memref<50x128xi32, #tpu.memory_space<hbm>>
      tpu.wait_dma2 semaphore(%run_scoped3A_146 : memref<!tpu.dma_semaphore, #tpu.memory_space<semaphore_mem>>) src(%dma_wait3A_154 : memref<50x128xi32, #tpu.memory_space<hbm>>) dst(%arg5 : memref<50x128xi32, #tpu.memory_space<vmem>>)
      tpu.yield
    }) : () -> ()
    %barrier3A = arith.constant 0 : index
    tpu.barrier barrier_id(%barrier3A)
    %dma_start3A = arith.constant 0 : i32
    %dma_start3A_14 = arith.constant 0 : i32
    %dma_start3A_15 = arith.constant 0 : i32
    %dma_start3A_16 = arith.constant 0 : i32
    %dma_start3A_17 = tpu.memref_slice %arg6[%dma_start3A_14, %dma_start3A_15, %dma_start3A_16] : memref<5x128x128xf32, #tpu.memory_space<vmem>> -> memref<1x128x128xf32, #tpu.memory_space<vmem>>
    %dma_start3A_18 = tpu.memref_squeeze %dma_start3A_17 : memref<1x128x128xf32, #tpu.memory_space<vmem>> -> memref<128x128xf32, #tpu.memory_space<vmem>>
    %dma_start3A_19 = arith.constant 0 : i32
    %dma_start3A_20 = tpu.memref_slice %arg5[%dma_start3A, %dma_start3A_19] : memref<50x128xi32, #tpu.memory_space<vmem>> -> memref<1x128xi32, #tpu.memory_space<vmem>>
    %dma_start3A_21 = tpu.memref_squeeze %dma_start3A_20 : memref<1x128xi32, #tpu.memory_space<vmem>> -> memref<128xi32, #tpu.memory_space<vmem>>
    %dma_start3A_22 = arith.constant 0 : i32
    %dma_start3A_23 = arith.constant 0 : i32
    %dma_start3A_24 = tpu.memref_slice %arg7[%dma_start3A_22, %dma_start3A_23] : memref<1000x128xf32, #tpu.memory_space<vmem_shared>> -> memref<1000x128xf32, #tpu.memory_space<vmem_shared>>
    tpu.enqueue_indirect_dma source(%dma_start3A_24 : memref<1000x128xf32, #tpu.memory_space<vmem_shared>>) target(%dma_start3A_18 : memref<128x128xf32, #tpu.memory_space<vmem>>) offsets(%dma_start3A_21 : memref<128xi32, #tpu.memory_space<vmem>>) semaphore(%arg8 : memref<!tpu.dma_semaphore, #tpu.memory_space<semaphore_mem>>)
    %dma_start3A_25 = arith.constant 1 : i32
    %dma_start3A_26 = arith.constant 1 : i32
    %dma_start3A_27 = arith.constant 0 : i32
    %dma_start3A_28 = arith.constant 0 : i32
    %dma_start3A_29 = tpu.memref_slice %arg6[%dma_start3A_26, %dma_start3A_27, %dma_start3A_28] : memref<5x128x128xf32, #tpu.memory_space<vmem>> -> memref<1x128x128xf32, #tpu.memory_space<vmem>>
    %dma_start3A_30 = tpu.memref_squeeze %dma_start3A_29 : memref<1x128x128xf32, #tpu.memory_space<vmem>> -> memref<128x128xf32, #tpu.memory_space<vmem>>
    %dma_start3A_31 = arith.constant 0 : i32
    %dma_start3A_32 = tpu.memref_slice %arg5[%dma_start3A_25, %dma_start3A_31] : memref<50x128xi32, #tpu.memory_space<vmem>> -> memref<1x128xi32, #tpu.memory_space<vmem>>
    %dma_start3A_33 = tpu.memref_squeeze %dma_start3A_32 : memref<1x128xi32, #tpu.memory_space<vmem>> -> memref<128xi32, #tpu.memory_space<vmem>>
    %dma_start3A_34 = arith.constant 0 : i32
    %dma_start3A_35 = arith.constant 0 : i32
    %dma_start3A_36 = tpu.memref_slice %arg7[%dma_start3A_34, %dma_start3A_35] : memref<1000x128xf32, #tpu.memory_space<vmem_shared>> -> memref<1000x128xf32, #tpu.memory_space<vmem_shared>>
    tpu.enqueue_indirect_dma source(%dma_start3A_36 : memref<1000x128xf32, #tpu.memory_space<vmem_shared>>) target(%dma_start3A_30 : memref<128x128xf32, #tpu.memory_space<vmem>>) offsets(%dma_start3A_33 : memref<128xi32, #tpu.memory_space<vmem>>) semaphore(%arg9 : memref<!tpu.dma_semaphore, #tpu.memory_space<semaphore_mem>>)
    %dma_start3A_37 = arith.constant 2 : i32
    %dma_start3A_38 = arith.constant 2 : i32
    %dma_start3A_39 = arith.constant 0 : i32
    %dma_start3A_40 = arith.constant 0 : i32
    %dma_start3A_41 = tpu.memref_slice %arg6[%dma_start3A_38, %dma_start3A_39, %dma_start3A_40] : memref<5x128x128xf32, #tpu.memory_space<vmem>> -> memref<1x128x128xf32, #tpu.memory_space<vmem>>
    %dma_start3A_42 = tpu.memref_squeeze %dma_start3A_41 : memref<1x128x128xf32, #tpu.memory_space<vmem>> -> memref<128x128xf32, #tpu.memory_space<vmem>>
    %dma_start3A_43 = arith.constant 0 : i32
    %dma_start3A_44 = tpu.memref_slice %arg5[%dma_start3A_37, %dma_start3A_43] : memref<50x128xi32, #tpu.memory_space<vmem>> -> memref<1x128xi32, #tpu.memory_space<vmem>>
    %dma_start3A_45 = tpu.memref_squeeze %dma_start3A_44 : memref<1x128xi32, #tpu.memory_space<vmem>> -> memref<128xi32, #tpu.memory_space<vmem>>
    %dma_start3A_46 = arith.constant 0 : i32
    %dma_start3A_47 = arith.constant 0 : i32
    %dma_start3A_48 = tpu.memref_slice %arg7[%dma_start3A_46, %dma_start3A_47] : memref<1000x128xf32, #tpu.memory_space<vmem_shared>> -> memref<1000x128xf32, #tpu.memory_space<vmem_shared>>
    tpu.enqueue_indirect_dma source(%dma_start3A_48 : memref<1000x128xf32, #tpu.memory_space<vmem_shared>>) target(%dma_start3A_42 : memref<128x128xf32, #tpu.memory_space<vmem>>) offsets(%dma_start3A_45 : memref<128xi32, #tpu.memory_space<vmem>>) semaphore(%arg10 : memref<!tpu.dma_semaphore, #tpu.memory_space<semaphore_mem>>)
    %dma_start3A_49 = arith.constant 3 : i32
    %dma_start3A_50 = arith.constant 3 : i32
    %dma_start3A_51 = arith.constant 0 : i32
    %dma_start3A_52 = arith.constant 0 : i32
    %dma_start3A_53 = tpu.memref_slice %arg6[%dma_start3A_50, %dma_start3A_51, %dma_start3A_52] : memref<5x128x128xf32, #tpu.memory_space<vmem>> -> memref<1x128x128xf32, #tpu.memory_space<vmem>>
    %dma_start3A_54 = tpu.memref_squeeze %dma_start3A_53 : memref<1x128x128xf32, #tpu.memory_space<vmem>> -> memref<128x128xf32, #tpu.memory_space<vmem>>
    %dma_start3A_55 = arith.constant 0 : i32
    %dma_start3A_56 = tpu.memref_slice %arg5[%dma_start3A_49, %dma_start3A_55] : memref<50x128xi32, #tpu.memory_space<vmem>> -> memref<1x128xi32, #tpu.memory_space<vmem>>
    %dma_start3A_57 = tpu.memref_squeeze %dma_start3A_56 : memref<1x128xi32, #tpu.memory_space<vmem>> -> memref<128xi32, #tpu.memory_space<vmem>>
    %dma_start3A_58 = arith.constant 0 : i32
    %dma_start3A_59 = arith.constant 0 : i32
    %dma_start3A_60 = tpu.memref_slice %arg7[%dma_start3A_58, %dma_start3A_59] : memref<1000x128xf32, #tpu.memory_space<vmem_shared>> -> memref<1000x128xf32, #tpu.memory_space<vmem_shared>>
    tpu.enqueue_indirect_dma source(%dma_start3A_60 : memref<1000x128xf32, #tpu.memory_space<vmem_shared>>) target(%dma_start3A_54 : memref<128x128xf32, #tpu.memory_space<vmem>>) offsets(%dma_start3A_57 : memref<128xi32, #tpu.memory_space<vmem>>) semaphore(%arg11 : memref<!tpu.dma_semaphore, #tpu.memory_space<semaphore_mem>>)
    %dma_start3A_61 = arith.constant 4 : i32
    %dma_start3A_62 = arith.constant 4 : i32
    %dma_start3A_63 = arith.constant 0 : i32
    %dma_start3A_64 = arith.constant 0 : i32
    %dma_start3A_65 = tpu.memref_slice %arg6[%dma_start3A_62, %dma_start3A_63, %dma_start3A_64] : memref<5x128x128xf32, #tpu.memory_space<vmem>> -> memref<1x128x128xf32, #tpu.memory_space<vmem>>
    %dma_start3A_66 = tpu.memref_squeeze %dma_start3A_65 : memref<1x128x128xf32, #tpu.memory_space<vmem>> -> memref<128x128xf32, #tpu.memory_space<vmem>>
    %dma_start3A_67 = arith.constant 0 : i32
    %dma_start3A_68 = tpu.memref_slice %arg5[%dma_start3A_61, %dma_start3A_67] : memref<50x128xi32, #tpu.memory_space<vmem>> -> memref<1x128xi32, #tpu.memory_space<vmem>>
    %dma_start3A_69 = tpu.memref_squeeze %dma_start3A_68 : memref<1x128xi32, #tpu.memory_space<vmem>> -> memref<128xi32, #tpu.memory_space<vmem>>
    %dma_start3A_70 = arith.constant 0 : i32
    %dma_start3A_71 = arith.constant 0 : i32
    %dma_start3A_72 = tpu.memref_slice %arg7[%dma_start3A_70, %dma_start3A_71] : memref<1000x128xf32, #tpu.memory_space<vmem_shared>> -> memref<1000x128xf32, #tpu.memory_space<vmem_shared>>
    tpu.enqueue_indirect_dma source(%dma_start3A_72 : memref<1000x128xf32, #tpu.memory_space<vmem_shared>>) target(%dma_start3A_66 : memref<128x128xf32, #tpu.memory_space<vmem>>) offsets(%dma_start3A_69 : memref<128xi32, #tpu.memory_space<vmem>>) semaphore(%arg12 : memref<!tpu.dma_semaphore, #tpu.memory_space<semaphore_mem>>)
    %scan3A = arith.constant 0 : i32
    %scan3A_73 = arith.constant 0 : i32
    %scan3A_74 = arith.constant 9 : i32
    %scan3A_75 = arith.addi %scan3A_73, %scan3A_74 : i32
    %scan3A_76 = arith.constant 1 : i32
    scf.for %scan3A_146 = %scan3A_73 to %scan3A_75 step %scan3A_76  : i32 {
      %mul3A_147 = arith.constant 5 : i32
      %mul3A_148 = arith.muli %scan3A_146, %mul3A_147 : i32
      %add3A_149 = arith.constant 0 : i32
      %add3A_150 = arith.addi %mul3A_148, %add3A_149 : i32
      %dma_wait3A_151 = arith.constant 0 : i32
      %dma_wait3A_152 = arith.constant 0 : i32
      %dma_wait3A_153 = arith.constant 0 : i32
      %dma_wait3A_154 = tpu.memref_slice %arg6[%dma_wait3A_151, %dma_wait3A_152, %dma_wait3A_153] : memref<5x128x128xf32, #tpu.memory_space<vmem>> -> memref<1x128x128xf32, #tpu.memory_space<vmem>>
      %dma_wait3A_155 = tpu.memref_squeeze %dma_wait3A_154 : memref<1x128x128xf32, #tpu.memory_space<vmem>> -> memref<128x128xf32, #tpu.memory_space<vmem>>
      %dma_wait3A_156 = arith.constant 0 : i32
      %dma_wait3A_157 = tpu.memref_slice %arg5[%add3A_150, %dma_wait3A_156] : memref<50x128xi32, #tpu.memory_space<vmem>> -> memref<1x128xi32, #tpu.memory_space<vmem>>
      %dma_wait3A_158 = tpu.memref_squeeze %dma_wait3A_157 : memref<1x128xi32, #tpu.memory_space<vmem>> -> memref<128xi32, #tpu.memory_space<vmem>>
      %dma_wait3A_159 = arith.constant 0 : i32
      %dma_wait3A_160 = arith.constant 0 : i32
      %dma_wait3A_161 = tpu.memref_slice %arg7[%dma_wait3A_159, %dma_wait3A_160] : memref<1000x128xf32, #tpu.memory_space<vmem_shared>> -> memref<1000x128xf32, #tpu.memory_space<vmem_shared>>
      tpu.wait_indirect_dma semaphore(%arg8 : memref<!tpu.dma_semaphore, #tpu.memory_space<semaphore_mem>>) src(%dma_wait3A_161 : memref<1000x128xf32, #tpu.memory_space<vmem_shared>>) dst(%dma_wait3A_155 : memref<128x128xf32, #tpu.memory_space<vmem>>)
      %run_scoped3A_162 = arith.constant 0 : i32
      "tpu.region"() ({
        %run_scoped3A_284 = tpu.sem_alloc : memref<!tpu.dma_semaphore, #tpu.memory_space<semaphore_mem>>
        %dma_start3A_285 = arith.constant 0 : i32
        %dma_start3A_286 = arith.constant 0 : i32
        %dma_start3A_287 = tpu.memref_slice %arg6[%run_scoped3A_162, %dma_start3A_285, %dma_start3A_286] : memref<5x128x128xf32, #tpu.memory_space<vmem>> -> memref<1x128x128xf32, #tpu.memory_space<vmem>>
        %dma_start3A_288 = tpu.memref_squeeze %dma_start3A_287 : memref<1x128x128xf32, #tpu.memory_space<vmem>> -> memref<128x128xf32, #tpu.memory_space<vmem>>
        %dma_start3A_289 = arith.constant 0 : i32
        %dma_start3A_290 = tpu.memref_slice %arg4[%add3A_150, %mul3A_2, %dma_start3A_289] : memref<50x4096x128xf32, #tpu.memory_space<hbm>> -> memref<1x128x128xf32, #tpu.memory_space<hbm>>
        %dma_start3A_291 = tpu.memref_squeeze %dma_start3A_290 : memref<1x128x128xf32, #tpu.memory_space<hbm>> -> memref<128x128xf32, #tpu.memory_space<hbm>>
        %dma_start3A_292 = arith.constant 0 : i32
        %dma_start3A_293 = tpu.memref_slice %arg4[%add3A_150, %mul3A_2, %dma_start3A_292] : memref<50x4096x128xf32, #tpu.memory_space<hbm>> -> memref<1x128x128xf32, #tpu.memory_space<hbm>>
        %dma_start3A_294 = tpu.memref_squeeze %dma_start3A_293 : memref<1x128x128xf32, #tpu.memory_space<hbm>> -> memref<128x128xf32, #tpu.memory_space<hbm>>
        %dma_start3A_295 = arith.constant 0 : i32
        %dma_start3A_296 = arith.constant 0 : i32
        %dma_start3A_297 = tpu.memref_slice %arg6[%run_scoped3A_162, %dma_start3A_295, %dma_start3A_296] : memref<5x128x128xf32, #tpu.memory_space<vmem>> -> memref<1x128x128xf32, #tpu.memory_space<vmem>>
        %dma_start3A_298 = tpu.memref_squeeze %dma_start3A_297 : memref<1x128x128xf32, #tpu.memory_space<vmem>> -> memref<128x128xf32, #tpu.memory_space<vmem>>
        tpu.enqueue_dma source(%dma_start3A_298 : memref<128x128xf32, #tpu.memory_space<vmem>>) target(%dma_start3A_294 : memref<128x128xf32, #tpu.memory_space<hbm>>) target_semaphore(%run_scoped3A_284 : memref<!tpu.dma_semaphore, #tpu.memory_space<semaphore_mem>>)
        %dma_wait3A_299 = arith.constant 0 : i32
        %dma_wait3A_300 = arith.constant 0 : i32
        %dma_wait3A_301 = tpu.memref_slice %arg6[%run_scoped3A_162, %dma_wait3A_299, %dma_wait3A_300] : memref<5x128x128xf32, #tpu.memory_space<vmem>> -> memref<1x128x128xf32, #tpu.memory_space<vmem>>
        %dma_wait3A_302 = tpu.memref_squeeze %dma_wait3A_301 : memref<1x128x128xf32, #tpu.memory_space<vmem>> -> memref<128x128xf32, #tpu.memory_space<vmem>>
        %dma_wait3A_303 = arith.constant 0 : i32
        %dma_wait3A_304 = tpu.memref_slice %arg4[%add3A_150, %mul3A_2, %dma_wait3A_303] : memref<50x4096x128xf32, #tpu.memory_space<hbm>> -> memref<1x128x128xf32, #tpu.memory_space<hbm>>
        %dma_wait3A_305 = tpu.memref_squeeze %dma_wait3A_304 : memref<1x128x128xf32, #tpu.memory_space<hbm>> -> memref<128x128xf32, #tpu.memory_space<hbm>>
        %dma_wait3A_306 = arith.constant 0 : i32
        %dma_wait3A_307 = tpu.memref_slice %arg4[%add3A_150, %mul3A_2, %dma_wait3A_306] : memref<50x4096x128xf32, #tpu.memory_space<hbm>> -> memref<1x128x128xf32, #tpu.memory_space<hbm>>
        %dma_wait3A_308 = tpu.memref_squeeze %dma_wait3A_307 : memref<1x128x128xf32, #tpu.memory_space<hbm>> -> memref<128x128xf32, #tpu.memory_space<hbm>>
        %dma_wait3A_309 = arith.constant 0 : i32
        %dma_wait3A_310 = arith.constant 0 : i32
        %dma_wait3A_311 = tpu.memref_slice %arg6[%run_scoped3A_162, %dma_wait3A_309, %dma_wait3A_310] : memref<5x128x128xf32, #tpu.memory_space<vmem>> -> memref<1x128x128xf32, #tpu.memory_space<vmem>>
        %dma_wait3A_312 = tpu.memref_squeeze %dma_wait3A_311 : memref<1x128x128xf32, #tpu.memory_space<vmem>> -> memref<128x128xf32, #tpu.memory_space<vmem>>
        tpu.wait_dma2 semaphore(%run_scoped3A_284 : memref<!tpu.dma_semaphore, #tpu.memory_space<semaphore_mem>>) src(%dma_wait3A_312 : memref<128x128xf32, #tpu.memory_space<vmem>>) dst(%dma_wait3A_308 : memref<128x128xf32, #tpu.memory_space<hbm>>)
        tpu.yield
      }) : () -> ()
      %add3A_163 = arith.constant 5 : i32
      %add3A_164 = arith.addi %add3A_150, %add3A_163 : i32
      %dma_start3A_165 = arith.constant 0 : i32
      %dma_start3A_166 = arith.constant 0 : i32
      %dma_start3A_167 = arith.constant 0 : i32
      %dma_start3A_168 = tpu.memref_slice %arg6[%dma_start3A_165, %dma_start3A_166, %dma_start3A_167] : memref<5x128x128xf32, #tpu.memory_space<vmem>> -> memref<1x128x128xf32, #tpu.memory_space<vmem>>
      %dma_start3A_169 = tpu.memref_squeeze %dma_start3A_168 : memref<1x128x128xf32, #tpu.memory_space<vmem>> -> memref<128x128xf32, #tpu.memory_space<vmem>>
      %dma_start3A_170 = arith.constant 0 : i32
      %dma_start3A_171 = tpu.memref_slice %arg5[%add3A_164, %dma_start3A_170] : memref<50x128xi32, #tpu.memory_space<vmem>> -> memref<1x128xi32, #tpu.memory_space<vmem>>
      %dma_start3A_172 = tpu.memref_squeeze %dma_start3A_171 : memref<1x128xi32, #tpu.memory_space<vmem>> -> memref<128xi32, #tpu.memory_space<vmem>>
      %dma_start3A_173 = arith.constant 0 : i32
      %dma_start3A_174 = arith.constant 0 : i32
      %dma_start3A_175 = tpu.memref_slice %arg7[%dma_start3A_173, %dma_start3A_174] : memref<1000x128xf32, #tpu.memory_space<vmem_shared>> -> memref<1000x128xf32, #tpu.memory_space<vmem_shared>>
      tpu.enqueue_indirect_dma source(%dma_start3A_175 : memref<1000x128xf32, #tpu.memory_space<vmem_shared>>) target(%dma_start3A_169 : memref<128x128xf32, #tpu.memory_space<vmem>>) offsets(%dma_start3A_172 : memref<128xi32, #tpu.memory_space<vmem>>) semaphore(%arg8 : memref<!tpu.dma_semaphore, #tpu.memory_space<semaphore_mem>>)
      %add3A_176 = arith.constant 1 : i32
      %add3A_177 = arith.addi %mul3A_148, %add3A_176 : i32
      %dma_wait3A_178 = arith.constant 1 : i32
      %dma_wait3A_179 = arith.constant 0 : i32
      %dma_wait3A_180 = arith.constant 0 : i32
      %dma_wait3A_181 = tpu.memref_slice %arg6[%dma_wait3A_178, %dma_wait3A_179, %dma_wait3A_180] : memref<5x128x128xf32, #tpu.memory_space<vmem>> -> memref<1x128x128xf32, #tpu.memory_space<vmem>>
      %dma_wait3A_182 = tpu.memref_squeeze %dma_wait3A_181 : memref<1x128x128xf32, #tpu.memory_space<vmem>> -> memref<128x128xf32, #tpu.memory_space<vmem>>
      %dma_wait3A_183 = arith.constant 0 : i32
      %dma_wait3A_184 = tpu.memref_slice %arg5[%add3A_177, %dma_wait3A_183] : memref<50x128xi32, #tpu.memory_space<vmem>> -> memref<1x128xi32, #tpu.memory_space<vmem>>
      %dma_wait3A_185 = tpu.memref_squeeze %dma_wait3A_184 : memref<1x128xi32, #tpu.memory_space<vmem>> -> memref<128xi32, #tpu.memory_space<vmem>>
      %dma_wait3A_186 = arith.constant 0 : i32
      %dma_wait3A_187 = arith.constant 0 : i32
      %dma_wait3A_188 = tpu.memref_slice %arg7[%dma_wait3A_186, %dma_wait3A_187] : memref<1000x128xf32, #tpu.memory_space<vmem_shared>> -> memref<1000x128xf32, #tpu.memory_space<vmem_shared>>
      tpu.wait_indirect_dma semaphore(%arg9 : memref<!tpu.dma_semaphore, #tpu.memory_space<semaphore_mem>>) src(%dma_wait3A_188 : memref<1000x128xf32, #tpu.memory_space<vmem_shared>>) dst(%dma_wait3A_182 : memref<128x128xf32, #tpu.memory_space<vmem>>)
      %run_scoped3A_189 = arith.constant 1 : i32
      "tpu.region"() ({
        %run_scoped3A_284 = tpu.sem_alloc : memref<!tpu.dma_semaphore, #tpu.memory_space<semaphore_mem>>
        %dma_start3A_285 = arith.constant 0 : i32
        %dma_start3A_286 = arith.constant 0 : i32
        %dma_start3A_287 = tpu.memref_slice %arg6[%run_scoped3A_189, %dma_start3A_285, %dma_start3A_286] : memref<5x128x128xf32, #tpu.memory_space<vmem>> -> memref<1x128x128xf32, #tpu.memory_space<vmem>>
        %dma_start3A_288 = tpu.memref_squeeze %dma_start3A_287 : memref<1x128x128xf32, #tpu.memory_space<vmem>> -> memref<128x128xf32, #tpu.memory_space<vmem>>
        %dma_start3A_289 = arith.constant 0 : i32
        %dma_start3A_290 = tpu.memref_slice %arg4[%add3A_177, %mul3A_2, %dma_start3A_289] : memref<50x4096x128xf32, #tpu.memory_space<hbm>> -> memref<1x128x128xf32, #tpu.memory_space<hbm>>
        %dma_start3A_291 = tpu.memref_squeeze %dma_start3A_290 : memref<1x128x128xf32, #tpu.memory_space<hbm>> -> memref<128x128xf32, #tpu.memory_space<hbm>>
        %dma_start3A_292 = arith.constant 0 : i32
        %dma_start3A_293 = tpu.memref_slice %arg4[%add3A_177, %mul3A_2, %dma_start3A_292] : memref<50x4096x128xf32, #tpu.memory_space<hbm>> -> memref<1x128x128xf32, #tpu.memory_space<hbm>>
        %dma_start3A_294 = tpu.memref_squeeze %dma_start3A_293 : memref<1x128x128xf32, #tpu.memory_space<hbm>> -> memref<128x128xf32, #tpu.memory_space<hbm>>
        %dma_start3A_295 = arith.constant 0 : i32
        %dma_start3A_296 = arith.constant 0 : i32
        %dma_start3A_297 = tpu.memref_slice %arg6[%run_scoped3A_189, %dma_start3A_295, %dma_start3A_296] : memref<5x128x128xf32, #tpu.memory_space<vmem>> -> memref<1x128x128xf32, #tpu.memory_space<vmem>>
        %dma_start3A_298 = tpu.memref_squeeze %dma_start3A_297 : memref<1x128x128xf32, #tpu.memory_space<vmem>> -> memref<128x128xf32, #tpu.memory_space<vmem>>
        tpu.enqueue_dma source(%dma_start3A_298 : memref<128x128xf32, #tpu.memory_space<vmem>>) target(%dma_start3A_294 : memref<128x128xf32, #tpu.memory_space<hbm>>) target_semaphore(%run_scoped3A_284 : memref<!tpu.dma_semaphore, #tpu.memory_space<semaphore_mem>>)
        %dma_wait3A_299 = arith.constant 0 : i32
        %dma_wait3A_300 = arith.constant 0 : i32
        %dma_wait3A_301 = tpu.memref_slice %arg6[%run_scoped3A_189, %dma_wait3A_299, %dma_wait3A_300] : memref<5x128x128xf32, #tpu.memory_space<vmem>> -> memref<1x128x128xf32, #tpu.memory_space<vmem>>
        %dma_wait3A_302 = tpu.memref_squeeze %dma_wait3A_301 : memref<1x128x128xf32, #tpu.memory_space<vmem>> -> memref<128x128xf32, #tpu.memory_space<vmem>>
        %dma_wait3A_303 = arith.constant 0 : i32
        %dma_wait3A_304 = tpu.memref_slice %arg4[%add3A_177, %mul3A_2, %dma_wait3A_303] : memref<50x4096x128xf32, #tpu.memory_space<hbm>> -> memref<1x128x128xf32, #tpu.memory_space<hbm>>
        %dma_wait3A_305 = tpu.memref_squeeze %dma_wait3A_304 : memref<1x128x128xf32, #tpu.memory_space<hbm>> -> memref<128x128xf32, #tpu.memory_space<hbm>>
        %dma_wait3A_306 = arith.constant 0 : i32
        %dma_wait3A_307 = tpu.memref_slice %arg4[%add3A_177, %mul3A_2, %dma_wait3A_306] : memref<50x4096x128xf32, #tpu.memory_space<hbm>> -> memref<1x128x128xf32, #tpu.memory_space<hbm>>
        %dma_wait3A_308 = tpu.memref_squeeze %dma_wait3A_307 : memref<1x128x128xf32, #tpu.memory_space<hbm>> -> memref<128x128xf32, #tpu.memory_space<hbm>>
        %dma_wait3A_309 = arith.constant 0 : i32
        %dma_wait3A_310 = arith.constant 0 : i32
        %dma_wait3A_311 = tpu.memref_slice %arg6[%run_scoped3A_189, %dma_wait3A_309, %dma_wait3A_310] : memref<5x128x128xf32, #tpu.memory_space<vmem>> -> memref<1x128x128xf32, #tpu.memory_space<vmem>>
        %dma_wait3A_312 = tpu.memref_squeeze %dma_wait3A_311 : memref<1x128x128xf32, #tpu.memory_space<vmem>> -> memref<128x128xf32, #tpu.memory_space<vmem>>
        tpu.wait_dma2 semaphore(%run_scoped3A_284 : memref<!tpu.dma_semaphore, #tpu.memory_space<semaphore_mem>>) src(%dma_wait3A_312 : memref<128x128xf32, #tpu.memory_space<vmem>>) dst(%dma_wait3A_308 : memref<128x128xf32, #tpu.memory_space<hbm>>)
        tpu.yield
      }) : () -> ()
      %add3A_190 = arith.constant 5 : i32
      %add3A_191 = arith.addi %add3A_177, %add3A_190 : i32
      %dma_start3A_192 = arith.constant 1 : i32
      %dma_start3A_193 = arith.constant 0 : i32
      %dma_start3A_194 = arith.constant 0 : i32
      %dma_start3A_195 = tpu.memref_slice %arg6[%dma_start3A_192, %dma_start3A_193, %dma_start3A_194] : memref<5x128x128xf32, #tpu.memory_space<vmem>> -> memref<1x128x128xf32, #tpu.memory_space<vmem>>
      %dma_start3A_196 = tpu.memref_squeeze %dma_start3A_195 : memref<1x128x128xf32, #tpu.memory_space<vmem>> -> memref<128x128xf32, #tpu.memory_space<vmem>>
      %dma_start3A_197 = arith.constant 0 : i32
      %dma_start3A_198 = tpu.memref_slice %arg5[%add3A_191, %dma_start3A_197] : memref<50x128xi32, #tpu.memory_space<vmem>> -> memref<1x128xi32, #tpu.memory_space<vmem>>
      %dma_start3A_199 = tpu.memref_squeeze %dma_start3A_198 : memref<1x128xi32, #tpu.memory_space<vmem>> -> memref<128xi32, #tpu.memory_space<vmem>>
      %dma_start3A_200 = arith.constant 0 : i32
      %dma_start3A_201 = arith.constant 0 : i32
      %dma_start3A_202 = tpu.memref_slice %arg7[%dma_start3A_200, %dma_start3A_201] : memref<1000x128xf32, #tpu.memory_space<vmem_shared>> -> memref<1000x128xf32, #tpu.memory_space<vmem_shared>>
      tpu.enqueue_indirect_dma source(%dma_start3A_202 : memref<1000x128xf32, #tpu.memory_space<vmem_shared>>) target(%dma_start3A_196 : memref<128x128xf32, #tpu.memory_space<vmem>>) offsets(%dma_start3A_199 : memref<128xi32, #tpu.memory_space<vmem>>) semaphore(%arg9 : memref<!tpu.dma_semaphore, #tpu.memory_space<semaphore_mem>>)
      %add3A_203 = arith.constant 2 : i32
      %add3A_204 = arith.addi %mul3A_148, %add3A_203 : i32
      %dma_wait3A_205 = arith.constant 2 : i32
      %dma_wait3A_206 = arith.constant 0 : i32
      %dma_wait3A_207 = arith.constant 0 : i32
      %dma_wait3A_208 = tpu.memref_slice %arg6[%dma_wait3A_205, %dma_wait3A_206, %dma_wait3A_207] : memref<5x128x128xf32, #tpu.memory_space<vmem>> -> memref<1x128x128xf32, #tpu.memory_space<vmem>>
      %dma_wait3A_209 = tpu.memref_squeeze %dma_wait3A_208 : memref<1x128x128xf32, #tpu.memory_space<vmem>> -> memref<128x128xf32, #tpu.memory_space<vmem>>
      %dma_wait3A_210 = arith.constant 0 : i32
      %dma_wait3A_211 = tpu.memref_slice %arg5[%add3A_204, %dma_wait3A_210] : memref<50x128xi32, #tpu.memory_space<vmem>> -> memref<1x128xi32, #tpu.memory_space<vmem>>
      %dma_wait3A_212 = tpu.memref_squeeze %dma_wait3A_211 : memref<1x128xi32, #tpu.memory_space<vmem>> -> memref<128xi32, #tpu.memory_space<vmem>>
      %dma_wait3A_213 = arith.constant 0 : i32
      %dma_wait3A_214 = arith.constant 0 : i32
      %dma_wait3A_215 = tpu.memref_slice %arg7[%dma_wait3A_213, %dma_wait3A_214] : memref<1000x128xf32, #tpu.memory_space<vmem_shared>> -> memref<1000x128xf32, #tpu.memory_space<vmem_shared>>
      tpu.wait_indirect_dma semaphore(%arg10 : memref<!tpu.dma_semaphore, #tpu.memory_space<semaphore_mem>>) src(%dma_wait3A_215 : memref<1000x128xf32, #tpu.memory_space<vmem_shared>>) dst(%dma_wait3A_209 : memref<128x128xf32, #tpu.memory_space<vmem>>)
      %run_scoped3A_216 = arith.constant 2 : i32
      "tpu.region"() ({
        %run_scoped3A_284 = tpu.sem_alloc : memref<!tpu.dma_semaphore, #tpu.memory_space<semaphore_mem>>
        %dma_start3A_285 = arith.constant 0 : i32
        %dma_start3A_286 = arith.constant 0 : i32
        %dma_start3A_287 = tpu.memref_slice %arg6[%run_scoped3A_216, %dma_start3A_285, %dma_start3A_286] : memref<5x128x128xf32, #tpu.memory_space<vmem>> -> memref<1x128x128xf32, #tpu.memory_space<vmem>>
        %dma_start3A_288 = tpu.memref_squeeze %dma_start3A_287 : memref<1x128x128xf32, #tpu.memory_space<vmem>> -> memref<128x128xf32, #tpu.memory_space<vmem>>
        %dma_start3A_289 = arith.constant 0 : i32
        %dma_start3A_290 = tpu.memref_slice %arg4[%add3A_204, %mul3A_2, %dma_start3A_289] : memref<50x4096x128xf32, #tpu.memory_space<hbm>> -> memref<1x128x128xf32, #tpu.memory_space<hbm>>
        %dma_start3A_291 = tpu.memref_squeeze %dma_start3A_290 : memref<1x128x128xf32, #tpu.memory_space<hbm>> -> memref<128x128xf32, #tpu.memory_space<hbm>>
        %dma_start3A_292 = arith.constant 0 : i32
        %dma_start3A_293 = tpu.memref_slice %arg4[%add3A_204, %mul3A_2, %dma_start3A_292] : memref<50x4096x128xf32, #tpu.memory_space<hbm>> -> memref<1x128x128xf32, #tpu.memory_space<hbm>>
        %dma_start3A_294 = tpu.memref_squeeze %dma_start3A_293 : memref<1x128x128xf32, #tpu.memory_space<hbm>> -> memref<128x128xf32, #tpu.memory_space<hbm>>
        %dma_start3A_295 = arith.constant 0 : i32
        %dma_start3A_296 = arith.constant 0 : i32
        %dma_start3A_297 = tpu.memref_slice %arg6[%run_scoped3A_216, %dma_start3A_295, %dma_start3A_296] : memref<5x128x128xf32, #tpu.memory_space<vmem>> -> memref<1x128x128xf32, #tpu.memory_space<vmem>>
        %dma_start3A_298 = tpu.memref_squeeze %dma_start3A_297 : memref<1x128x128xf32, #tpu.memory_space<vmem>> -> memref<128x128xf32, #tpu.memory_space<vmem>>
        tpu.enqueue_dma source(%dma_start3A_298 : memref<128x128xf32, #tpu.memory_space<vmem>>) target(%dma_start3A_294 : memref<128x128xf32, #tpu.memory_space<hbm>>) target_semaphore(%run_scoped3A_284 : memref<!tpu.dma_semaphore, #tpu.memory_space<semaphore_mem>>)
        %dma_wait3A_299 = arith.constant 0 : i32
        %dma_wait3A_300 = arith.constant 0 : i32
        %dma_wait3A_301 = tpu.memref_slice %arg6[%run_scoped3A_216, %dma_wait3A_299, %dma_wait3A_300] : memref<5x128x128xf32, #tpu.memory_space<vmem>> -> memref<1x128x128xf32, #tpu.memory_space<vmem>>
        %dma_wait3A_302 = tpu.memref_squeeze %dma_wait3A_301 : memref<1x128x128xf32, #tpu.memory_space<vmem>> -> memref<128x128xf32, #tpu.memory_space<vmem>>
        %dma_wait3A_303 = arith.constant 0 : i32
        %dma_wait3A_304 = tpu.memref_slice %arg4[%add3A_204, %mul3A_2, %dma_wait3A_303] : memref<50x4096x128xf32, #tpu.memory_space<hbm>> -> memref<1x128x128xf32, #tpu.memory_space<hbm>>
        %dma_wait3A_305 = tpu.memref_squeeze %dma_wait3A_304 : memref<1x128x128xf32, #tpu.memory_space<hbm>> -> memref<128x128xf32, #tpu.memory_space<hbm>>
        %dma_wait3A_306 = arith.constant 0 : i32
        %dma_wait3A_307 = tpu.memref_slice %arg4[%add3A_204, %mul3A_2, %dma_wait3A_306] : memref<50x4096x128xf32, #tpu.memory_space<hbm>> -> memref<1x128x128xf32, #tpu.memory_space<hbm>>
        %dma_wait3A_308 = tpu.memref_squeeze %dma_wait3A_307 : memref<1x128x128xf32, #tpu.memory_space<hbm>> -> memref<128x128xf32, #tpu.memory_space<hbm>>
        %dma_wait3A_309 = arith.constant 0 : i32
        %dma_wait3A_310 = arith.constant 0 : i32
        %dma_wait3A_311 = tpu.memref_slice %arg6[%run_scoped3A_216, %dma_wait3A_309, %dma_wait3A_310] : memref<5x128x128xf32, #tpu.memory_space<vmem>> -> memref<1x128x128xf32, #tpu.memory_space<vmem>>
        %dma_wait3A_312 = tpu.memref_squeeze %dma_wait3A_311 : memref<1x128x128xf32, #tpu.memory_space<vmem>> -> memref<128x128xf32, #tpu.memory_space<vmem>>
        tpu.wait_dma2 semaphore(%run_scoped3A_284 : memref<!tpu.dma_semaphore, #tpu.memory_space<semaphore_mem>>) src(%dma_wait3A_312 : memref<128x128xf32, #tpu.memory_space<vmem>>) dst(%dma_wait3A_308 : memref<128x128xf32, #tpu.memory_space<hbm>>)
        tpu.yield
      }) : () -> ()
      %add3A_217 = arith.constant 5 : i32
      %add3A_218 = arith.addi %add3A_204, %add3A_217 : i32
      %dma_start3A_219 = arith.constant 2 : i32
      %dma_start3A_220 = arith.constant 0 : i32
      %dma_start3A_221 = arith.constant 0 : i32
      %dma_start3A_222 = tpu.memref_slice %arg6[%dma_start3A_219, %dma_start3A_220, %dma_start3A_221] : memref<5x128x128xf32, #tpu.memory_space<vmem>> -> memref<1x128x128xf32, #tpu.memory_space<vmem>>
      %dma_start3A_223 = tpu.memref_squeeze %dma_start3A_222 : memref<1x128x128xf32, #tpu.memory_space<vmem>> -> memref<128x128xf32, #tpu.memory_space<vmem>>
      %dma_start3A_224 = arith.constant 0 : i32
      %dma_start3A_225 = tpu.memref_slice %arg5[%add3A_218, %dma_start3A_224] : memref<50x128xi32, #tpu.memory_space<vmem>> -> memref<1x128xi32, #tpu.memory_space<vmem>>
      %dma_start3A_226 = tpu.memref_squeeze %dma_start3A_225 : memref<1x128xi32, #tpu.memory_space<vmem>> -> memref<128xi32, #tpu.memory_space<vmem>>
      %dma_start3A_227 = arith.constant 0 : i32
      %dma_start3A_228 = arith.constant 0 : i32
      %dma_start3A_229 = tpu.memref_slice %arg7[%dma_start3A_227, %dma_start3A_228] : memref<1000x128xf32, #tpu.memory_space<vmem_shared>> -> memref<1000x128xf32, #tpu.memory_space<vmem_shared>>
      tpu.enqueue_indirect_dma source(%dma_start3A_229 : memref<1000x128xf32, #tpu.memory_space<vmem_shared>>) target(%dma_start3A_223 : memref<128x128xf32, #tpu.memory_space<vmem>>) offsets(%dma_start3A_226 : memref<128xi32, #tpu.memory_space<vmem>>) semaphore(%arg10 : memref<!tpu.dma_semaphore, #tpu.memory_space<semaphore_mem>>)
      %add3A_230 = arith.constant 3 : i32
      %add3A_231 = arith.addi %mul3A_148, %add3A_230 : i32
      %dma_wait3A_232 = arith.constant 3 : i32
      %dma_wait3A_233 = arith.constant 0 : i32
      %dma_wait3A_234 = arith.constant 0 : i32
      %dma_wait3A_235 = tpu.memref_slice %arg6[%dma_wait3A_232, %dma_wait3A_233, %dma_wait3A_234] : memref<5x128x128xf32, #tpu.memory_space<vmem>> -> memref<1x128x128xf32, #tpu.memory_space<vmem>>
      %dma_wait3A_236 = tpu.memref_squeeze %dma_wait3A_235 : memref<1x128x128xf32, #tpu.memory_space<vmem>> -> memref<128x128xf32, #tpu.memory_space<vmem>>
      %dma_wait3A_237 = arith.constant 0 : i32
      %dma_wait3A_238 = tpu.memref_slice %arg5[%add3A_231, %dma_wait3A_237] : memref<50x128xi32, #tpu.memory_space<vmem>> -> memref<1x128xi32, #tpu.memory_space<vmem>>
      %dma_wait3A_239 = tpu.memref_squeeze %dma_wait3A_238 : memref<1x128xi32, #tpu.memory_space<vmem>> -> memref<128xi32, #tpu.memory_space<vmem>>
      %dma_wait3A_240 = arith.constant 0 : i32
      %dma_wait3A_241 = arith.constant 0 : i32
      %dma_wait3A_242 = tpu.memref_slice %arg7[%dma_wait3A_240, %dma_wait3A_241] : memref<1000x128xf32, #tpu.memory_space<vmem_shared>> -> memref<1000x128xf32, #tpu.memory_space<vmem_shared>>
      tpu.wait_indirect_dma semaphore(%arg11 : memref<!tpu.dma_semaphore, #tpu.memory_space<semaphore_mem>>) src(%dma_wait3A_242 : memref<1000x128xf32, #tpu.memory_space<vmem_shared>>) dst(%dma_wait3A_236 : memref<128x128xf32, #tpu.memory_space<vmem>>)
      %run_scoped3A_243 = arith.constant 3 : i32
      "tpu.region"() ({
        %run_scoped3A_284 = tpu.sem_alloc : memref<!tpu.dma_semaphore, #tpu.memory_space<semaphore_mem>>
        %dma_start3A_285 = arith.constant 0 : i32
        %dma_start3A_286 = arith.constant 0 : i32
        %dma_start3A_287 = tpu.memref_slice %arg6[%run_scoped3A_243, %dma_start3A_285, %dma_start3A_286] : memref<5x128x128xf32, #tpu.memory_space<vmem>> -> memref<1x128x128xf32, #tpu.memory_space<vmem>>
        %dma_start3A_288 = tpu.memref_squeeze %dma_start3A_287 : memref<1x128x128xf32, #tpu.memory_space<vmem>> -> memref<128x128xf32, #tpu.memory_space<vmem>>
        %dma_start3A_289 = arith.constant 0 : i32
        %dma_start3A_290 = tpu.memref_slice %arg4[%add3A_231, %mul3A_2, %dma_start3A_289] : memref<50x4096x128xf32, #tpu.memory_space<hbm>> -> memref<1x128x128xf32, #tpu.memory_space<hbm>>
        %dma_start3A_291 = tpu.memref_squeeze %dma_start3A_290 : memref<1x128x128xf32, #tpu.memory_space<hbm>> -> memref<128x128xf32, #tpu.memory_space<hbm>>
        %dma_start3A_292 = arith.constant 0 : i32
        %dma_start3A_293 = tpu.memref_slice %arg4[%add3A_231, %mul3A_2, %dma_start3A_292] : memref<50x4096x128xf32, #tpu.memory_space<hbm>> -> memref<1x128x128xf32, #tpu.memory_space<hbm>>
        %dma_start3A_294 = tpu.memref_squeeze %dma_start3A_293 : memref<1x128x128xf32, #tpu.memory_space<hbm>> -> memref<128x128xf32, #tpu.memory_space<hbm>>
        %dma_start3A_295 = arith.constant 0 : i32
        %dma_start3A_296 = arith.constant 0 : i32
        %dma_start3A_297 = tpu.memref_slice %arg6[%run_scoped3A_243, %dma_start3A_295, %dma_start3A_296] : memref<5x128x128xf32, #tpu.memory_space<vmem>> -> memref<1x128x128xf32, #tpu.memory_space<vmem>>
        %dma_start3A_298 = tpu.memref_squeeze %dma_start3A_297 : memref<1x128x128xf32, #tpu.memory_space<vmem>> -> memref<128x128xf32, #tpu.memory_space<vmem>>
        tpu.enqueue_dma source(%dma_start3A_298 : memref<128x128xf32, #tpu.memory_space<vmem>>) target(%dma_start3A_294 : memref<128x128xf32, #tpu.memory_space<hbm>>) target_semaphore(%run_scoped3A_284 : memref<!tpu.dma_semaphore, #tpu.memory_space<semaphore_mem>>)
        %dma_wait3A_299 = arith.constant 0 : i32
        %dma_wait3A_300 = arith.constant 0 : i32
        %dma_wait3A_301 = tpu.memref_slice %arg6[%run_scoped3A_243, %dma_wait3A_299, %dma_wait3A_300] : memref<5x128x128xf32, #tpu.memory_space<vmem>> -> memref<1x128x128xf32, #tpu.memory_space<vmem>>
        %dma_wait3A_302 = tpu.memref_squeeze %dma_wait3A_301 : memref<1x128x128xf32, #tpu.memory_space<vmem>> -> memref<128x128xf32, #tpu.memory_space<vmem>>
        %dma_wait3A_303 = arith.constant 0 : i32
        %dma_wait3A_304 = tpu.memref_slice %arg4[%add3A_231, %mul3A_2, %dma_wait3A_303] : memref<50x4096x128xf32, #tpu.memory_space<hbm>> -> memref<1x128x128xf32, #tpu.memory_space<hbm>>
        %dma_wait3A_305 = tpu.memref_squeeze %dma_wait3A_304 : memref<1x128x128xf32, #tpu.memory_space<hbm>> -> memref<128x128xf32, #tpu.memory_space<hbm>>
        %dma_wait3A_306 = arith.constant 0 : i32
        %dma_wait3A_307 = tpu.memref_slice %arg4[%add3A_231, %mul3A_2, %dma_wait3A_306] : memref<50x4096x128xf32, #tpu.memory_space<hbm>> -> memref<1x128x128xf32, #tpu.memory_space<hbm>>
        %dma_wait3A_308 = tpu.memref_squeeze %dma_wait3A_307 : memref<1x128x128xf32, #tpu.memory_space<hbm>> -> memref<128x128xf32, #tpu.memory_space<hbm>>
        %dma_wait3A_309 = arith.constant 0 : i32
        %dma_wait3A_310 = arith.constant 0 : i32
        %dma_wait3A_311 = tpu.memref_slice %arg6[%run_scoped3A_243, %dma_wait3A_309, %dma_wait3A_310] : memref<5x128x128xf32, #tpu.memory_space<vmem>> -> memref<1x128x128xf32, #tpu.memory_space<vmem>>
        %dma_wait3A_312 = tpu.memref_squeeze %dma_wait3A_311 : memref<1x128x128xf32, #tpu.memory_space<vmem>> -> memref<128x128xf32, #tpu.memory_space<vmem>>
        tpu.wait_dma2 semaphore(%run_scoped3A_284 : memref<!tpu.dma_semaphore, #tpu.memory_space<semaphore_mem>>) src(%dma_wait3A_312 : memref<128x128xf32, #tpu.memory_space<vmem>>) dst(%dma_wait3A_308 : memref<128x128xf32, #tpu.memory_space<hbm>>)
        tpu.yield
      }) : () -> ()
      %add3A_244 = arith.constant 5 : i32
      %add3A_245 = arith.addi %add3A_231, %add3A_244 : i32
      %dma_start3A_246 = arith.constant 3 : i32
      %dma_start3A_247 = arith.constant 0 : i32
      %dma_start3A_248 = arith.constant 0 : i32
      %dma_start3A_249 = tpu.memref_slice %arg6[%dma_start3A_246, %dma_start3A_247, %dma_start3A_248] : memref<5x128x128xf32, #tpu.memory_space<vmem>> -> memref<1x128x128xf32, #tpu.memory_space<vmem>>
      %dma_start3A_250 = tpu.memref_squeeze %dma_start3A_249 : memref<1x128x128xf32, #tpu.memory_space<vmem>> -> memref<128x128xf32, #tpu.memory_space<vmem>>
      %dma_start3A_251 = arith.constant 0 : i32
      %dma_start3A_252 = tpu.memref_slice %arg5[%add3A_245, %dma_start3A_251] : memref<50x128xi32, #tpu.memory_space<vmem>> -> memref<1x128xi32, #tpu.memory_space<vmem>>
      %dma_start3A_253 = tpu.memref_squeeze %dma_start3A_252 : memref<1x128xi32, #tpu.memory_space<vmem>> -> memref<128xi32, #tpu.memory_space<vmem>>
      %dma_start3A_254 = arith.constant 0 : i32
      %dma_start3A_255 = arith.constant 0 : i32
      %dma_start3A_256 = tpu.memref_slice %arg7[%dma_start3A_254, %dma_start3A_255] : memref<1000x128xf32, #tpu.memory_space<vmem_shared>> -> memref<1000x128xf32, #tpu.memory_space<vmem_shared>>
      tpu.enqueue_indirect_dma source(%dma_start3A_256 : memref<1000x128xf32, #tpu.memory_space<vmem_shared>>) target(%dma_start3A_250 : memref<128x128xf32, #tpu.memory_space<vmem>>) offsets(%dma_start3A_253 : memref<128xi32, #tpu.memory_space<vmem>>) semaphore(%arg11 : memref<!tpu.dma_semaphore, #tpu.memory_space<semaphore_mem>>)
      %add3A_257 = arith.constant 4 : i32
      %add3A_258 = arith.addi %mul3A_148, %add3A_257 : i32
      %dma_wait3A_259 = arith.constant 4 : i32
      %dma_wait3A_260 = arith.constant 0 : i32
      %dma_wait3A_261 = arith.constant 0 : i32
      %dma_wait3A_262 = tpu.memref_slice %arg6[%dma_wait3A_259, %dma_wait3A_260, %dma_wait3A_261] : memref<5x128x128xf32, #tpu.memory_space<vmem>> -> memref<1x128x128xf32, #tpu.memory_space<vmem>>
      %dma_wait3A_263 = tpu.memref_squeeze %dma_wait3A_262 : memref<1x128x128xf32, #tpu.memory_space<vmem>> -> memref<128x128xf32, #tpu.memory_space<vmem>>
      %dma_wait3A_264 = arith.constant 0 : i32
      %dma_wait3A_265 = tpu.memref_slice %arg5[%add3A_258, %dma_wait3A_264] : memref<50x128xi32, #tpu.memory_space<vmem>> -> memref<1x128xi32, #tpu.memory_space<vmem>>
      %dma_wait3A_266 = tpu.memref_squeeze %dma_wait3A_265 : memref<1x128xi32, #tpu.memory_space<vmem>> -> memref<128xi32, #tpu.memory_space<vmem>>
      %dma_wait3A_267 = arith.constant 0 : i32
      %dma_wait3A_268 = arith.constant 0 : i32
      %dma_wait3A_269 = tpu.memref_slice %arg7[%dma_wait3A_267, %dma_wait3A_268] : memref<1000x128xf32, #tpu.memory_space<vmem_shared>> -> memref<1000x128xf32, #tpu.memory_space<vmem_shared>>
      tpu.wait_indirect_dma semaphore(%arg12 : memref<!tpu.dma_semaphore, #tpu.memory_space<semaphore_mem>>) src(%dma_wait3A_269 : memref<1000x128xf32, #tpu.memory_space<vmem_shared>>) dst(%dma_wait3A_263 : memref<128x128xf32, #tpu.memory_space<vmem>>)
      %run_scoped3A_270 = arith.constant 4 : i32
      "tpu.region"() ({
        %run_scoped3A_284 = tpu.sem_alloc : memref<!tpu.dma_semaphore, #tpu.memory_space<semaphore_mem>>
        %dma_start3A_285 = arith.constant 0 : i32
        %dma_start3A_286 = arith.constant 0 : i32
        %dma_start3A_287 = tpu.memref_slice %arg6[%run_scoped3A_270, %dma_start3A_285, %dma_start3A_286] : memref<5x128x128xf32, #tpu.memory_space<vmem>> -> memref<1x128x128xf32, #tpu.memory_space<vmem>>
        %dma_start3A_288 = tpu.memref_squeeze %dma_start3A_287 : memref<1x128x128xf32, #tpu.memory_space<vmem>> -> memref<128x128xf32, #tpu.memory_space<vmem>>
        %dma_start3A_289 = arith.constant 0 : i32
        %dma_start3A_290 = tpu.memref_slice %arg4[%add3A_258, %mul3A_2, %dma_start3A_289] : memref<50x4096x128xf32, #tpu.memory_space<hbm>> -> memref<1x128x128xf32, #tpu.memory_space<hbm>>
        %dma_start3A_291 = tpu.memref_squeeze %dma_start3A_290 : memref<1x128x128xf32, #tpu.memory_space<hbm>> -> memref<128x128xf32, #tpu.memory_space<hbm>>
        %dma_start3A_292 = arith.constant 0 : i32
        %dma_start3A_293 = tpu.memref_slice %arg4[%add3A_258, %mul3A_2, %dma_start3A_292] : memref<50x4096x128xf32, #tpu.memory_space<hbm>> -> memref<1x128x128xf32, #tpu.memory_space<hbm>>
        %dma_start3A_294 = tpu.memref_squeeze %dma_start3A_293 : memref<1x128x128xf32, #tpu.memory_space<hbm>> -> memref<128x128xf32, #tpu.memory_space<hbm>>
        %dma_start3A_295 = arith.constant 0 : i32
        %dma_start3A_296 = arith.constant 0 : i32
        %dma_start3A_297 = tpu.memref_slice %arg6[%run_scoped3A_270, %dma_start3A_295, %dma_start3A_296] : memref<5x128x128xf32, #tpu.memory_space<vmem>> -> memref<1x128x128xf32, #tpu.memory_space<vmem>>
        %dma_start3A_298 = tpu.memref_squeeze %dma_start3A_297 : memref<1x128x128xf32, #tpu.memory_space<vmem>> -> memref<128x128xf32, #tpu.memory_space<vmem>>
        tpu.enqueue_dma source(%dma_start3A_298 : memref<128x128xf32, #tpu.memory_space<vmem>>) target(%dma_start3A_294 : memref<128x128xf32, #tpu.memory_space<hbm>>) target_semaphore(%run_scoped3A_284 : memref<!tpu.dma_semaphore, #tpu.memory_space<semaphore_mem>>)
        %dma_wait3A_299 = arith.constant 0 : i32
        %dma_wait3A_300 = arith.constant 0 : i32
        %dma_wait3A_301 = tpu.memref_slice %arg6[%run_scoped3A_270, %dma_wait3A_299, %dma_wait3A_300] : memref<5x128x128xf32, #tpu.memory_space<vmem>> -> memref<1x128x128xf32, #tpu.memory_space<vmem>>
        %dma_wait3A_302 = tpu.memref_squeeze %dma_wait3A_301 : memref<1x128x128xf32, #tpu.memory_space<vmem>> -> memref<128x128xf32, #tpu.memory_space<vmem>>
        %dma_wait3A_303 = arith.constant 0 : i32
        %dma_wait3A_304 = tpu.memref_slice %arg4[%add3A_258, %mul3A_2, %dma_wait3A_303] : memref<50x4096x128xf32, #tpu.memory_space<hbm>> -> memref<1x128x128xf32, #tpu.memory_space<hbm>>
        %dma_wait3A_305 = tpu.memref_squeeze %dma_wait3A_304 : memref<1x128x128xf32, #tpu.memory_space<hbm>> -> memref<128x128xf32, #tpu.memory_space<hbm>>
        %dma_wait3A_306 = arith.constant 0 : i32
        %dma_wait3A_307 = tpu.memref_slice %arg4[%add3A_258, %mul3A_2, %dma_wait3A_306] : memref<50x4096x128xf32, #tpu.memory_space<hbm>> -> memref<1x128x128xf32, #tpu.memory_space<hbm>>
        %dma_wait3A_308 = tpu.memref_squeeze %dma_wait3A_307 : memref<1x128x128xf32, #tpu.memory_space<hbm>> -> memref<128x128xf32, #tpu.memory_space<hbm>>
        %dma_wait3A_309 = arith.constant 0 : i32
        %dma_wait3A_310 = arith.constant 0 : i32
        %dma_wait3A_311 = tpu.memref_slice %arg6[%run_scoped3A_270, %dma_wait3A_309, %dma_wait3A_310] : memref<5x128x128xf32, #tpu.memory_space<vmem>> -> memref<1x128x128xf32, #tpu.memory_space<vmem>>
        %dma_wait3A_312 = tpu.memref_squeeze %dma_wait3A_311 : memref<1x128x128xf32, #tpu.memory_space<vmem>> -> memref<128x128xf32, #tpu.memory_space<vmem>>
        tpu.wait_dma2 semaphore(%run_scoped3A_284 : memref<!tpu.dma_semaphore, #tpu.memory_space<semaphore_mem>>) src(%dma_wait3A_312 : memref<128x128xf32, #tpu.memory_space<vmem>>) dst(%dma_wait3A_308 : memref<128x128xf32, #tpu.memory_space<hbm>>)
        tpu.yield
      }) : () -> ()
      %add3A_271 = arith.constant 5 : i32
      %add3A_272 = arith.addi %add3A_258, %add3A_271 : i32
      %dma_start3A_273 = arith.constant 4 : i32
      %dma_start3A_274 = arith.constant 0 : i32
      %dma_start3A_275 = arith.constant 0 : i32
      %dma_start3A_276 = tpu.memref_slice %arg6[%dma_start3A_273, %dma_start3A_274, %dma_start3A_275] : memref<5x128x128xf32, #tpu.memory_space<vmem>> -> memref<1x128x128xf32, #tpu.memory_space<vmem>>
      %dma_start3A_277 = tpu.memref_squeeze %dma_start3A_276 : memref<1x128x128xf32, #tpu.memory_space<vmem>> -> memref<128x128xf32, #tpu.memory_space<vmem>>
      %dma_start3A_278 = arith.constant 0 : i32
      %dma_start3A_279 = tpu.memref_slice %arg5[%add3A_272, %dma_start3A_278] : memref<50x128xi32, #tpu.memory_space<vmem>> -> memref<1x128xi32, #tpu.memory_space<vmem>>
      %dma_start3A_280 = tpu.memref_squeeze %dma_start3A_279 : memref<1x128xi32, #tpu.memory_space<vmem>> -> memref<128xi32, #tpu.memory_space<vmem>>
      %dma_start3A_281 = arith.constant 0 : i32
      %dma_start3A_282 = arith.constant 0 : i32
      %dma_start3A_283 = tpu.memref_slice %arg7[%dma_start3A_281, %dma_start3A_282] : memref<1000x128xf32, #tpu.memory_space<vmem_shared>> -> memref<1000x128xf32, #tpu.memory_space<vmem_shared>>
      tpu.enqueue_indirect_dma source(%dma_start3A_283 : memref<1000x128xf32, #tpu.memory_space<vmem_shared>>) target(%dma_start3A_277 : memref<128x128xf32, #tpu.memory_space<vmem>>) offsets(%dma_start3A_280 : memref<128xi32, #tpu.memory_space<vmem>>) semaphore(%arg12 : memref<!tpu.dma_semaphore, #tpu.memory_space<semaphore_mem>>)
    }
    %scan3A_77 = arith.constant 9 : i32
    %dma_wait3A = arith.constant 45 : i32
    %dma_wait3A_78 = arith.constant 0 : i32
    %dma_wait3A_79 = arith.constant 0 : i32
    %dma_wait3A_80 = arith.constant 0 : i32
    %dma_wait3A_81 = tpu.memref_slice %arg6[%dma_wait3A_78, %dma_wait3A_79, %dma_wait3A_80] : memref<5x128x128xf32, #tpu.memory_space<vmem>> -> memref<1x128x128xf32, #tpu.memory_space<vmem>>
    %dma_wait3A_82 = tpu.memref_squeeze %dma_wait3A_81 : memref<1x128x128xf32, #tpu.memory_space<vmem>> -> memref<128x128xf32, #tpu.memory_space<vmem>>
    %dma_wait3A_83 = arith.constant 0 : i32
    %dma_wait3A_84 = tpu.memref_slice %arg5[%dma_wait3A, %dma_wait3A_83] : memref<50x128xi32, #tpu.memory_space<vmem>> -> memref<1x128xi32, #tpu.memory_space<vmem>>
    %dma_wait3A_85 = tpu.memref_squeeze %dma_wait3A_84 : memref<1x128xi32, #tpu.memory_space<vmem>> -> memref<128xi32, #tpu.memory_space<vmem>>
    %dma_wait3A_86 = arith.constant 0 : i32
    %dma_wait3A_87 = arith.constant 0 : i32
    %dma_wait3A_88 = tpu.memref_slice %arg7[%dma_wait3A_86, %dma_wait3A_87] : memref<1000x128xf32, #tpu.memory_space<vmem_shared>> -> memref<1000x128xf32, #tpu.memory_space<vmem_shared>>
    tpu.wait_indirect_dma semaphore(%arg8 : memref<!tpu.dma_semaphore, #tpu.memory_space<semaphore_mem>>) src(%dma_wait3A_88 : memref<1000x128xf32, #tpu.memory_space<vmem_shared>>) dst(%dma_wait3A_82 : memref<128x128xf32, #tpu.memory_space<vmem>>)
    %run_scoped3A = arith.constant 0 : i32
    %run_scoped3A_89 = arith.constant 45 : i32
    "tpu.region"() ({
      %run_scoped3A_146 = tpu.sem_alloc : memref<!tpu.dma_semaphore, #tpu.memory_space<semaphore_mem>>
      %dma_start3A_147 = arith.constant 0 : i32
      %dma_start3A_148 = arith.constant 0 : i32
      %dma_start3A_149 = tpu.memref_slice %arg6[%run_scoped3A, %dma_start3A_147, %dma_start3A_148] : memref<5x128x128xf32, #tpu.memory_space<vmem>> -> memref<1x128x128xf32, #tpu.memory_space<vmem>>
      %dma_start3A_150 = tpu.memref_squeeze %dma_start3A_149 : memref<1x128x128xf32, #tpu.memory_space<vmem>> -> memref<128x128xf32, #tpu.memory_space<vmem>>
      %dma_start3A_151 = arith.constant 0 : i32
      %dma_start3A_152 = tpu.memref_slice %arg4[%run_scoped3A_89, %mul3A_2, %dma_start3A_151] : memref<50x4096x128xf32, #tpu.memory_space<hbm>> -> memref<1x128x128xf32, #tpu.memory_space<hbm>>
      %dma_start3A_153 = tpu.memref_squeeze %dma_start3A_152 : memref<1x128x128xf32, #tpu.memory_space<hbm>> -> memref<128x128xf32, #tpu.memory_space<hbm>>
      %dma_start3A_154 = arith.constant 0 : i32
      %dma_start3A_155 = tpu.memref_slice %arg4[%run_scoped3A_89, %mul3A_2, %dma_start3A_154] : memref<50x4096x128xf32, #tpu.memory_space<hbm>> -> memref<1x128x128xf32, #tpu.memory_space<hbm>>
      %dma_start3A_156 = tpu.memref_squeeze %dma_start3A_155 : memref<1x128x128xf32, #tpu.memory_space<hbm>> -> memref<128x128xf32, #tpu.memory_space<hbm>>
      %dma_start3A_157 = arith.constant 0 : i32
      %dma_start3A_158 = arith.constant 0 : i32
      %dma_start3A_159 = tpu.memref_slice %arg6[%run_scoped3A, %dma_start3A_157, %dma_start3A_158] : memref<5x128x128xf32, #tpu.memory_space<vmem>> -> memref<1x128x128xf32, #tpu.memory_space<vmem>>
      %dma_start3A_160 = tpu.memref_squeeze %dma_start3A_159 : memref<1x128x128xf32, #tpu.memory_space<vmem>> -> memref<128x128xf32, #tpu.memory_space<vmem>>
      tpu.enqueue_dma source(%dma_start3A_160 : memref<128x128xf32, #tpu.memory_space<vmem>>) target(%dma_start3A_156 : memref<128x128xf32, #tpu.memory_space<hbm>>) target_semaphore(%run_scoped3A_146 : memref<!tpu.dma_semaphore, #tpu.memory_space<semaphore_mem>>)
      %dma_wait3A_161 = arith.constant 0 : i32
      %dma_wait3A_162 = arith.constant 0 : i32
      %dma_wait3A_163 = tpu.memref_slice %arg6[%run_scoped3A, %dma_wait3A_161, %dma_wait3A_162] : memref<5x128x128xf32, #tpu.memory_space<vmem>> -> memref<1x128x128xf32, #tpu.memory_space<vmem>>
      %dma_wait3A_164 = tpu.memref_squeeze %dma_wait3A_163 : memref<1x128x128xf32, #tpu.memory_space<vmem>> -> memref<128x128xf32, #tpu.memory_space<vmem>>
      %dma_wait3A_165 = arith.constant 0 : i32
      %dma_wait3A_166 = tpu.memref_slice %arg4[%run_scoped3A_89, %mul3A_2, %dma_wait3A_165] : memref<50x4096x128xf32, #tpu.memory_space<hbm>> -> memref<1x128x128xf32, #tpu.memory_space<hbm>>
      %dma_wait3A_167 = tpu.memref_squeeze %dma_wait3A_166 : memref<1x128x128xf32, #tpu.memory_space<hbm>> -> memref<128x128xf32, #tpu.memory_space<hbm>>
      %dma_wait3A_168 = arith.constant 0 : i32
      %dma_wait3A_169 = tpu.memref_slice %arg4[%run_scoped3A_89, %mul3A_2, %dma_wait3A_168] : memref<50x4096x128xf32, #tpu.memory_space<hbm>> -> memref<1x128x128xf32, #tpu.memory_space<hbm>>
      %dma_wait3A_170 = tpu.memref_squeeze %dma_wait3A_169 : memref<1x128x128xf32, #tpu.memory_space<hbm>> -> memref<128x128xf32, #tpu.memory_space<hbm>>
      %dma_wait3A_171 = arith.constant 0 : i32
      %dma_wait3A_172 = arith.constant 0 : i32
      %dma_wait3A_173 = tpu.memref_slice %arg6[%run_scoped3A, %dma_wait3A_171, %dma_wait3A_172] : memref<5x128x128xf32, #tpu.memory_space<vmem>> -> memref<1x128x128xf32, #tpu.memory_space<vmem>>
      %dma_wait3A_174 = tpu.memref_squeeze %dma_wait3A_173 : memref<1x128x128xf32, #tpu.memory_space<vmem>> -> memref<128x128xf32, #tpu.memory_space<vmem>>
      tpu.wait_dma2 semaphore(%run_scoped3A_146 : memref<!tpu.dma_semaphore, #tpu.memory_space<semaphore_mem>>) src(%dma_wait3A_174 : memref<128x128xf32, #tpu.memory_space<vmem>>) dst(%dma_wait3A_170 : memref<128x128xf32, #tpu.memory_space<hbm>>)
      tpu.yield
    }) : () -> ()
    %dma_wait3A_90 = arith.constant 46 : i32
    %dma_wait3A_91 = arith.constant 1 : i32
    %dma_wait3A_92 = arith.constant 0 : i32
    %dma_wait3A_93 = arith.constant 0 : i32
    %dma_wait3A_94 = tpu.memref_slice %arg6[%dma_wait3A_91, %dma_wait3A_92, %dma_wait3A_93] : memref<5x128x128xf32, #tpu.memory_space<vmem>> -> memref<1x128x128xf32, #tpu.memory_space<vmem>>
    %dma_wait3A_95 = tpu.memref_squeeze %dma_wait3A_94 : memref<1x128x128xf32, #tpu.memory_space<vmem>> -> memref<128x128xf32, #tpu.memory_space<vmem>>
    %dma_wait3A_96 = arith.constant 0 : i32
    %dma_wait3A_97 = tpu.memref_slice %arg5[%dma_wait3A_90, %dma_wait3A_96] : memref<50x128xi32, #tpu.memory_space<vmem>> -> memref<1x128xi32, #tpu.memory_space<vmem>>
    %dma_wait3A_98 = tpu.memref_squeeze %dma_wait3A_97 : memref<1x128xi32, #tpu.memory_space<vmem>> -> memref<128xi32, #tpu.memory_space<vmem>>
    %dma_wait3A_99 = arith.constant 0 : i32
    %dma_wait3A_100 = arith.constant 0 : i32
    %dma_wait3A_101 = tpu.memref_slice %arg7[%dma_wait3A_99, %dma_wait3A_100] : memref<1000x128xf32, #tpu.memory_space<vmem_shared>> -> memref<1000x128xf32, #tpu.memory_space<vmem_shared>>
    tpu.wait_indirect_dma semaphore(%arg9 : memref<!tpu.dma_semaphore, #tpu.memory_space<semaphore_mem>>) src(%dma_wait3A_101 : memref<1000x128xf32, #tpu.memory_space<vmem_shared>>) dst(%dma_wait3A_95 : memref<128x128xf32, #tpu.memory_space<vmem>>)
    %run_scoped3A_102 = arith.constant 1 : i32
    %run_scoped3A_103 = arith.constant 46 : i32
    "tpu.region"() ({
      %run_scoped3A_146 = tpu.sem_alloc : memref<!tpu.dma_semaphore, #tpu.memory_space<semaphore_mem>>
      %dma_start3A_147 = arith.constant 0 : i32
      %dma_start3A_148 = arith.constant 0 : i32
      %dma_start3A_149 = tpu.memref_slice %arg6[%run_scoped3A_102, %dma_start3A_147, %dma_start3A_148] : memref<5x128x128xf32, #tpu.memory_space<vmem>> -> memref<1x128x128xf32, #tpu.memory_space<vmem>>
      %dma_start3A_150 = tpu.memref_squeeze %dma_start3A_149 : memref<1x128x128xf32, #tpu.memory_space<vmem>> -> memref<128x128xf32, #tpu.memory_space<vmem>>
      %dma_start3A_151 = arith.constant 0 : i32
      %dma_start3A_152 = tpu.memref_slice %arg4[%run_scoped3A_103, %mul3A_2, %dma_start3A_151] : memref<50x4096x128xf32, #tpu.memory_space<hbm>> -> memref<1x128x128xf32, #tpu.memory_space<hbm>>
      %dma_start3A_153 = tpu.memref_squeeze %dma_start3A_152 : memref<1x128x128xf32, #tpu.memory_space<hbm>> -> memref<128x128xf32, #tpu.memory_space<hbm>>
      %dma_start3A_154 = arith.constant 0 : i32
      %dma_start3A_155 = tpu.memref_slice %arg4[%run_scoped3A_103, %mul3A_2, %dma_start3A_154] : memref<50x4096x128xf32, #tpu.memory_space<hbm>> -> memref<1x128x128xf32, #tpu.memory_space<hbm>>
      %dma_start3A_156 = tpu.memref_squeeze %dma_start3A_155 : memref<1x128x128xf32, #tpu.memory_space<hbm>> -> memref<128x128xf32, #tpu.memory_space<hbm>>
      %dma_start3A_157 = arith.constant 0 : i32
      %dma_start3A_158 = arith.constant 0 : i32
      %dma_start3A_159 = tpu.memref_slice %arg6[%run_scoped3A_102, %dma_start3A_157, %dma_start3A_158] : memref<5x128x128xf32, #tpu.memory_space<vmem>> -> memref<1x128x128xf32, #tpu.memory_space<vmem>>
      %dma_start3A_160 = tpu.memref_squeeze %dma_start3A_159 : memref<1x128x128xf32, #tpu.memory_space<vmem>> -> memref<128x128xf32, #tpu.memory_space<vmem>>
      tpu.enqueue_dma source(%dma_start3A_160 : memref<128x128xf32, #tpu.memory_space<vmem>>) target(%dma_start3A_156 : memref<128x128xf32, #tpu.memory_space<hbm>>) target_semaphore(%run_scoped3A_146 : memref<!tpu.dma_semaphore, #tpu.memory_space<semaphore_mem>>)
      %dma_wait3A_161 = arith.constant 0 : i32
      %dma_wait3A_162 = arith.constant 0 : i32
      %dma_wait3A_163 = tpu.memref_slice %arg6[%run_scoped3A_102, %dma_wait3A_161, %dma_wait3A_162] : memref<5x128x128xf32, #tpu.memory_space<vmem>> -> memref<1x128x128xf32, #tpu.memory_space<vmem>>
      %dma_wait3A_164 = tpu.memref_squeeze %dma_wait3A_163 : memref<1x128x128xf32, #tpu.memory_space<vmem>> -> memref<128x128xf32, #tpu.memory_space<vmem>>
      %dma_wait3A_165 = arith.constant 0 : i32
      %dma_wait3A_166 = tpu.memref_slice %arg4[%run_scoped3A_103, %mul3A_2, %dma_wait3A_165] : memref<50x4096x128xf32, #tpu.memory_space<hbm>> -> memref<1x128x128xf32, #tpu.memory_space<hbm>>
      %dma_wait3A_167 = tpu.memref_squeeze %dma_wait3A_166 : memref<1x128x128xf32, #tpu.memory_space<hbm>> -> memref<128x128xf32, #tpu.memory_space<hbm>>
      %dma_wait3A_168 = arith.constant 0 : i32
      %dma_wait3A_169 = tpu.memref_slice %arg4[%run_scoped3A_103, %mul3A_2, %dma_wait3A_168] : memref<50x4096x128xf32, #tpu.memory_space<hbm>> -> memref<1x128x128xf32, #tpu.memory_space<hbm>>
      %dma_wait3A_170 = tpu.memref_squeeze %dma_wait3A_169 : memref<1x128x128xf32, #tpu.memory_space<hbm>> -> memref<128x128xf32, #tpu.memory_space<hbm>>
      %dma_wait3A_171 = arith.constant 0 : i32
      %dma_wait3A_172 = arith.constant 0 : i32
      %dma_wait3A_173 = tpu.memref_slice %arg6[%run_scoped3A_102, %dma_wait3A_171, %dma_wait3A_172] : memref<5x128x128xf32, #tpu.memory_space<vmem>> -> memref<1x128x128xf32, #tpu.memory_space<vmem>>
      %dma_wait3A_174 = tpu.memref_squeeze %dma_wait3A_173 : memref<1x128x128xf32, #tpu.memory_space<vmem>> -> memref<128x128xf32, #tpu.memory_space<vmem>>
      tpu.wait_dma2 semaphore(%run_scoped3A_146 : memref<!tpu.dma_semaphore, #tpu.memory_space<semaphore_mem>>) src(%dma_wait3A_174 : memref<128x128xf32, #tpu.memory_space<vmem>>) dst(%dma_wait3A_170 : memref<128x128xf32, #tpu.memory_space<hbm>>)
      tpu.yield
    }) : () -> ()
    %dma_wait3A_104 = arith.constant 47 : i32
    %dma_wait3A_105 = arith.constant 2 : i32
    %dma_wait3A_106 = arith.constant 0 : i32
    %dma_wait3A_107 = arith.constant 0 : i32
    %dma_wait3A_108 = tpu.memref_slice %arg6[%dma_wait3A_105, %dma_wait3A_106, %dma_wait3A_107] : memref<5x128x128xf32, #tpu.memory_space<vmem>> -> memref<1x128x128xf32, #tpu.memory_space<vmem>>
    %dma_wait3A_109 = tpu.memref_squeeze %dma_wait3A_108 : memref<1x128x128xf32, #tpu.memory_space<vmem>> -> memref<128x128xf32, #tpu.memory_space<vmem>>
    %dma_wait3A_110 = arith.constant 0 : i32
    %dma_wait3A_111 = tpu.memref_slice %arg5[%dma_wait3A_104, %dma_wait3A_110] : memref<50x128xi32, #tpu.memory_space<vmem>> -> memref<1x128xi32, #tpu.memory_space<vmem>>
    %dma_wait3A_112 = tpu.memref_squeeze %dma_wait3A_111 : memref<1x128xi32, #tpu.memory_space<vmem>> -> memref<128xi32, #tpu.memory_space<vmem>>
    %dma_wait3A_113 = arith.constant 0 : i32
    %dma_wait3A_114 = arith.constant 0 : i32
    %dma_wait3A_115 = tpu.memref_slice %arg7[%dma_wait3A_113, %dma_wait3A_114] : memref<1000x128xf32, #tpu.memory_space<vmem_shared>> -> memref<1000x128xf32, #tpu.memory_space<vmem_shared>>
    tpu.wait_indirect_dma semaphore(%arg10 : memref<!tpu.dma_semaphore, #tpu.memory_space<semaphore_mem>>) src(%dma_wait3A_115 : memref<1000x128xf32, #tpu.memory_space<vmem_shared>>) dst(%dma_wait3A_109 : memref<128x128xf32, #tpu.memory_space<vmem>>)
    %run_scoped3A_116 = arith.constant 2 : i32
    %run_scoped3A_117 = arith.constant 47 : i32
    "tpu.region"() ({
      %run_scoped3A_146 = tpu.sem_alloc : memref<!tpu.dma_semaphore, #tpu.memory_space<semaphore_mem>>
      %dma_start3A_147 = arith.constant 0 : i32
      %dma_start3A_148 = arith.constant 0 : i32
      %dma_start3A_149 = tpu.memref_slice %arg6[%run_scoped3A_116, %dma_start3A_147, %dma_start3A_148] : memref<5x128x128xf32, #tpu.memory_space<vmem>> -> memref<1x128x128xf32, #tpu.memory_space<vmem>>
      %dma_start3A_150 = tpu.memref_squeeze %dma_start3A_149 : memref<1x128x128xf32, #tpu.memory_space<vmem>> -> memref<128x128xf32, #tpu.memory_space<vmem>>
      %dma_start3A_151 = arith.constant 0 : i32
      %dma_start3A_152 = tpu.memref_slice %arg4[%run_scoped3A_117, %mul3A_2, %dma_start3A_151] : memref<50x4096x128xf32, #tpu.memory_space<hbm>> -> memref<1x128x128xf32, #tpu.memory_space<hbm>>
      %dma_start3A_153 = tpu.memref_squeeze %dma_start3A_152 : memref<1x128x128xf32, #tpu.memory_space<hbm>> -> memref<128x128xf32, #tpu.memory_space<hbm>>
      %dma_start3A_154 = arith.constant 0 : i32
      %dma_start3A_155 = tpu.memref_slice %arg4[%run_scoped3A_117, %mul3A_2, %dma_start3A_154] : memref<50x4096x128xf32, #tpu.memory_space<hbm>> -> memref<1x128x128xf32, #tpu.memory_space<hbm>>
      %dma_start3A_156 = tpu.memref_squeeze %dma_start3A_155 : memref<1x128x128xf32, #tpu.memory_space<hbm>> -> memref<128x128xf32, #tpu.memory_space<hbm>>
      %dma_start3A_157 = arith.constant 0 : i32
      %dma_start3A_158 = arith.constant 0 : i32
      %dma_start3A_159 = tpu.memref_slice %arg6[%run_scoped3A_116, %dma_start3A_157, %dma_start3A_158] : memref<5x128x128xf32, #tpu.memory_space<vmem>> -> memref<1x128x128xf32, #tpu.memory_space<vmem>>
      %dma_start3A_160 = tpu.memref_squeeze %dma_start3A_159 : memref<1x128x128xf32, #tpu.memory_space<vmem>> -> memref<128x128xf32, #tpu.memory_space<vmem>>
      tpu.enqueue_dma source(%dma_start3A_160 : memref<128x128xf32, #tpu.memory_space<vmem>>) target(%dma_start3A_156 : memref<128x128xf32, #tpu.memory_space<hbm>>) target_semaphore(%run_scoped3A_146 : memref<!tpu.dma_semaphore, #tpu.memory_space<semaphore_mem>>)
      %dma_wait3A_161 = arith.constant 0 : i32
      %dma_wait3A_162 = arith.constant 0 : i32
      %dma_wait3A_163 = tpu.memref_slice %arg6[%run_scoped3A_116, %dma_wait3A_161, %dma_wait3A_162] : memref<5x128x128xf32, #tpu.memory_space<vmem>> -> memref<1x128x128xf32, #tpu.memory_space<vmem>>
      %dma_wait3A_164 = tpu.memref_squeeze %dma_wait3A_163 : memref<1x128x128xf32, #tpu.memory_space<vmem>> -> memref<128x128xf32, #tpu.memory_space<vmem>>
      %dma_wait3A_165 = arith.constant 0 : i32
      %dma_wait3A_166 = tpu.memref_slice %arg4[%run_scoped3A_117, %mul3A_2, %dma_wait3A_165] : memref<50x4096x128xf32, #tpu.memory_space<hbm>> -> memref<1x128x128xf32, #tpu.memory_space<hbm>>
      %dma_wait3A_167 = tpu.memref_squeeze %dma_wait3A_166 : memref<1x128x128xf32, #tpu.memory_space<hbm>> -> memref<128x128xf32, #tpu.memory_space<hbm>>
      %dma_wait3A_168 = arith.constant 0 : i32
      %dma_wait3A_169 = tpu.memref_slice %arg4[%run_scoped3A_117, %mul3A_2, %dma_wait3A_168] : memref<50x4096x128xf32, #tpu.memory_space<hbm>> -> memref<1x128x128xf32, #tpu.memory_space<hbm>>
      %dma_wait3A_170 = tpu.memref_squeeze %dma_wait3A_169 : memref<1x128x128xf32, #tpu.memory_space<hbm>> -> memref<128x128xf32, #tpu.memory_space<hbm>>
      %dma_wait3A_171 = arith.constant 0 : i32
      %dma_wait3A_172 = arith.constant 0 : i32
      %dma_wait3A_173 = tpu.memref_slice %arg6[%run_scoped3A_116, %dma_wait3A_171, %dma_wait3A_172] : memref<5x128x128xf32, #tpu.memory_space<vmem>> -> memref<1x128x128xf32, #tpu.memory_space<vmem>>
      %dma_wait3A_174 = tpu.memref_squeeze %dma_wait3A_173 : memref<1x128x128xf32, #tpu.memory_space<vmem>> -> memref<128x128xf32, #tpu.memory_space<vmem>>
      tpu.wait_dma2 semaphore(%run_scoped3A_146 : memref<!tpu.dma_semaphore, #tpu.memory_space<semaphore_mem>>) src(%dma_wait3A_174 : memref<128x128xf32, #tpu.memory_space<vmem>>) dst(%dma_wait3A_170 : memref<128x128xf32, #tpu.memory_space<hbm>>)
      tpu.yield
    }) : () -> ()
    %dma_wait3A_118 = arith.constant 48 : i32
    %dma_wait3A_119 = arith.constant 3 : i32
    %dma_wait3A_120 = arith.constant 0 : i32
    %dma_wait3A_121 = arith.constant 0 : i32
    %dma_wait3A_122 = tpu.memref_slice %arg6[%dma_wait3A_119, %dma_wait3A_120, %dma_wait3A_121] : memref<5x128x128xf32, #tpu.memory_space<vmem>> -> memref<1x128x128xf32, #tpu.memory_space<vmem>>
    %dma_wait3A_123 = tpu.memref_squeeze %dma_wait3A_122 : memref<1x128x128xf32, #tpu.memory_space<vmem>> -> memref<128x128xf32, #tpu.memory_space<vmem>>
    %dma_wait3A_124 = arith.constant 0 : i32
    %dma_wait3A_125 = tpu.memref_slice %arg5[%dma_wait3A_118, %dma_wait3A_124] : memref<50x128xi32, #tpu.memory_space<vmem>> -> memref<1x128xi32, #tpu.memory_space<vmem>>
    %dma_wait3A_126 = tpu.memref_squeeze %dma_wait3A_125 : memref<1x128xi32, #tpu.memory_space<vmem>> -> memref<128xi32, #tpu.memory_space<vmem>>
    %dma_wait3A_127 = arith.constant 0 : i32
    %dma_wait3A_128 = arith.constant 0 : i32
    %dma_wait3A_129 = tpu.memref_slice %arg7[%dma_wait3A_127, %dma_wait3A_128] : memref<1000x128xf32, #tpu.memory_space<vmem_shared>> -> memref<1000x128xf32, #tpu.memory_space<vmem_shared>>
    tpu.wait_indirect_dma semaphore(%arg11 : memref<!tpu.dma_semaphore, #tpu.memory_space<semaphore_mem>>) src(%dma_wait3A_129 : memref<1000x128xf32, #tpu.memory_space<vmem_shared>>) dst(%dma_wait3A_123 : memref<128x128xf32, #tpu.memory_space<vmem>>)
    %run_scoped3A_130 = arith.constant 3 : i32
    %run_scoped3A_131 = arith.constant 48 : i32
    "tpu.region"() ({
      %run_scoped3A_146 = tpu.sem_alloc : memref<!tpu.dma_semaphore, #tpu.memory_space<semaphore_mem>>
      %dma_start3A_147 = arith.constant 0 : i32
      %dma_start3A_148 = arith.constant 0 : i32
      %dma_start3A_149 = tpu.memref_slice %arg6[%run_scoped3A_130, %dma_start3A_147, %dma_start3A_148] : memref<5x128x128xf32, #tpu.memory_space<vmem>> -> memref<1x128x128xf32, #tpu.memory_space<vmem>>
      %dma_start3A_150 = tpu.memref_squeeze %dma_start3A_149 : memref<1x128x128xf32, #tpu.memory_space<vmem>> -> memref<128x128xf32, #tpu.memory_space<vmem>>
      %dma_start3A_151 = arith.constant 0 : i32
      %dma_start3A_152 = tpu.memref_slice %arg4[%run_scoped3A_131, %mul3A_2, %dma_start3A_151] : memref<50x4096x128xf32, #tpu.memory_space<hbm>> -> memref<1x128x128xf32, #tpu.memory_space<hbm>>
      %dma_start3A_153 = tpu.memref_squeeze %dma_start3A_152 : memref<1x128x128xf32, #tpu.memory_space<hbm>> -> memref<128x128xf32, #tpu.memory_space<hbm>>
      %dma_start3A_154 = arith.constant 0 : i32
      %dma_start3A_155 = tpu.memref_slice %arg4[%run_scoped3A_131, %mul3A_2, %dma_start3A_154] : memref<50x4096x128xf32, #tpu.memory_space<hbm>> -> memref<1x128x128xf32, #tpu.memory_space<hbm>>
      %dma_start3A_156 = tpu.memref_squeeze %dma_start3A_155 : memref<1x128x128xf32, #tpu.memory_space<hbm>> -> memref<128x128xf32, #tpu.memory_space<hbm>>
      %dma_start3A_157 = arith.constant 0 : i32
      %dma_start3A_158 = arith.constant 0 : i32
      %dma_start3A_159 = tpu.memref_slice %arg6[%run_scoped3A_130, %dma_start3A_157, %dma_start3A_158] : memref<5x128x128xf32, #tpu.memory_space<vmem>> -> memref<1x128x128xf32, #tpu.memory_space<vmem>>
      %dma_start3A_160 = tpu.memref_squeeze %dma_start3A_159 : memref<1x128x128xf32, #tpu.memory_space<vmem>> -> memref<128x128xf32, #tpu.memory_space<vmem>>
      tpu.enqueue_dma source(%dma_start3A_160 : memref<128x128xf32, #tpu.memory_space<vmem>>) target(%dma_start3A_156 : memref<128x128xf32, #tpu.memory_space<hbm>>) target_semaphore(%run_scoped3A_146 : memref<!tpu.dma_semaphore, #tpu.memory_space<semaphore_mem>>)
      %dma_wait3A_161 = arith.constant 0 : i32
      %dma_wait3A_162 = arith.constant 0 : i32
      %dma_wait3A_163 = tpu.memref_slice %arg6[%run_scoped3A_130, %dma_wait3A_161, %dma_wait3A_162] : memref<5x128x128xf32, #tpu.memory_space<vmem>> -> memref<1x128x128xf32, #tpu.memory_space<vmem>>
      %dma_wait3A_164 = tpu.memref_squeeze %dma_wait3A_163 : memref<1x128x128xf32, #tpu.memory_space<vmem>> -> memref<128x128xf32, #tpu.memory_space<vmem>>
      %dma_wait3A_165 = arith.constant 0 : i32
      %dma_wait3A_166 = tpu.memref_slice %arg4[%run_scoped3A_131, %mul3A_2, %dma_wait3A_165] : memref<50x4096x128xf32, #tpu.memory_space<hbm>> -> memref<1x128x128xf32, #tpu.memory_space<hbm>>
      %dma_wait3A_167 = tpu.memref_squeeze %dma_wait3A_166 : memref<1x128x128xf32, #tpu.memory_space<hbm>> -> memref<128x128xf32, #tpu.memory_space<hbm>>
      %dma_wait3A_168 = arith.constant 0 : i32
      %dma_wait3A_169 = tpu.memref_slice %arg4[%run_scoped3A_131, %mul3A_2, %dma_wait3A_168] : memref<50x4096x128xf32, #tpu.memory_space<hbm>> -> memref<1x128x128xf32, #tpu.memory_space<hbm>>
      %dma_wait3A_170 = tpu.memref_squeeze %dma_wait3A_169 : memref<1x128x128xf32, #tpu.memory_space<hbm>> -> memref<128x128xf32, #tpu.memory_space<hbm>>
      %dma_wait3A_171 = arith.constant 0 : i32
      %dma_wait3A_172 = arith.constant 0 : i32
      %dma_wait3A_173 = tpu.memref_slice %arg6[%run_scoped3A_130, %dma_wait3A_171, %dma_wait3A_172] : memref<5x128x128xf32, #tpu.memory_space<vmem>> -> memref<1x128x128xf32, #tpu.memory_space<vmem>>
      %dma_wait3A_174 = tpu.memref_squeeze %dma_wait3A_173 : memref<1x128x128xf32, #tpu.memory_space<vmem>> -> memref<128x128xf32, #tpu.memory_space<vmem>>
      tpu.wait_dma2 semaphore(%run_scoped3A_146 : memref<!tpu.dma_semaphore, #tpu.memory_space<semaphore_mem>>) src(%dma_wait3A_174 : memref<128x128xf32, #tpu.memory_space<vmem>>) dst(%dma_wait3A_170 : memref<128x128xf32, #tpu.memory_space<hbm>>)
      tpu.yield
    }) : () -> ()
    %dma_wait3A_132 = arith.constant 49 : i32
    %dma_wait3A_133 = arith.constant 4 : i32
    %dma_wait3A_134 = arith.constant 0 : i32
    %dma_wait3A_135 = arith.constant 0 : i32
    %dma_wait3A_136 = tpu.memref_slice %arg6[%dma_wait3A_133, %dma_wait3A_134, %dma_wait3A_135] : memref<5x128x128xf32, #tpu.memory_space<vmem>> -> memref<1x128x128xf32, #tpu.memory_space<vmem>>
    %dma_wait3A_137 = tpu.memref_squeeze %dma_wait3A_136 : memref<1x128x128xf32, #tpu.memory_space<vmem>> -> memref<128x128xf32, #tpu.memory_space<vmem>>
    %dma_wait3A_138 = arith.constant 0 : i32
    %dma_wait3A_139 = tpu.memref_slice %arg5[%dma_wait3A_132, %dma_wait3A_138] : memref<50x128xi32, #tpu.memory_space<vmem>> -> memref<1x128xi32, #tpu.memory_space<vmem>>
    %dma_wait3A_140 = tpu.memref_squeeze %dma_wait3A_139 : memref<1x128xi32, #tpu.memory_space<vmem>> -> memref<128xi32, #tpu.memory_space<vmem>>
    %dma_wait3A_141 = arith.constant 0 : i32
    %dma_wait3A_142 = arith.constant 0 : i32
    %dma_wait3A_143 = tpu.memref_slice %arg7[%dma_wait3A_141, %dma_wait3A_142] : memref<1000x128xf32, #tpu.memory_space<vmem_shared>> -> memref<1000x128xf32, #tpu.memory_space<vmem_shared>>
    tpu.wait_indirect_dma semaphore(%arg12 : memref<!tpu.dma_semaphore, #tpu.memory_space<semaphore_mem>>) src(%dma_wait3A_143 : memref<1000x128xf32, #tpu.memory_space<vmem_shared>>) dst(%dma_wait3A_137 : memref<128x128xf32, #tpu.memory_space<vmem>>)
    %run_scoped3A_144 = arith.constant 4 : i32
    %run_scoped3A_145 = arith.constant 49 : i32
    "tpu.region"() ({
      %run_scoped3A_146 = tpu.sem_alloc : memref<!tpu.dma_semaphore, #tpu.memory_space<semaphore_mem>>
      %dma_start3A_147 = arith.constant 0 : i32
      %dma_start3A_148 = arith.constant 0 : i32
      %dma_start3A_149 = tpu.memref_slice %arg6[%run_scoped3A_144, %dma_start3A_147, %dma_start3A_148] : memref<5x128x128xf32, #tpu.memory_space<vmem>> -> memref<1x128x128xf32, #tpu.memory_space<vmem>>
      %dma_start3A_150 = tpu.memref_squeeze %dma_start3A_149 : memref<1x128x128xf32, #tpu.memory_space<vmem>> -> memref<128x128xf32, #tpu.memory_space<vmem>>
      %dma_start3A_151 = arith.constant 0 : i32
      %dma_start3A_152 = tpu.memref_slice %arg4[%run_scoped3A_145, %mul3A_2, %dma_start3A_151] : memref<50x4096x128xf32, #tpu.memory_space<hbm>> -> memref<1x128x128xf32, #tpu.memory_space<hbm>>
      %dma_start3A_153 = tpu.memref_squeeze %dma_start3A_152 : memref<1x128x128xf32, #tpu.memory_space<hbm>> -> memref<128x128xf32, #tpu.memory_space<hbm>>
      %dma_start3A_154 = arith.constant 0 : i32
      %dma_start3A_155 = tpu.memref_slice %arg4[%run_scoped3A_145, %mul3A_2, %dma_start3A_154] : memref<50x4096x128xf32, #tpu.memory_space<hbm>> -> memref<1x128x128xf32, #tpu.memory_space<hbm>>
      %dma_start3A_156 = tpu.memref_squeeze %dma_start3A_155 : memref<1x128x128xf32, #tpu.memory_space<hbm>> -> memref<128x128xf32, #tpu.memory_space<hbm>>
      %dma_start3A_157 = arith.constant 0 : i32
      %dma_start3A_158 = arith.constant 0 : i32
      %dma_start3A_159 = tpu.memref_slice %arg6[%run_scoped3A_144, %dma_start3A_157, %dma_start3A_158] : memref<5x128x128xf32, #tpu.memory_space<vmem>> -> memref<1x128x128xf32, #tpu.memory_space<vmem>>
      %dma_start3A_160 = tpu.memref_squeeze %dma_start3A_159 : memref<1x128x128xf32, #tpu.memory_space<vmem>> -> memref<128x128xf32, #tpu.memory_space<vmem>>
      tpu.enqueue_dma source(%dma_start3A_160 : memref<128x128xf32, #tpu.memory_space<vmem>>) target(%dma_start3A_156 : memref<128x128xf32, #tpu.memory_space<hbm>>) target_semaphore(%run_scoped3A_146 : memref<!tpu.dma_semaphore, #tpu.memory_space<semaphore_mem>>)
      %dma_wait3A_161 = arith.constant 0 : i32
      %dma_wait3A_162 = arith.constant 0 : i32
      %dma_wait3A_163 = tpu.memref_slice %arg6[%run_scoped3A_144, %dma_wait3A_161, %dma_wait3A_162] : memref<5x128x128xf32, #tpu.memory_space<vmem>> -> memref<1x128x128xf32, #tpu.memory_space<vmem>>
      %dma_wait3A_164 = tpu.memref_squeeze %dma_wait3A_163 : memref<1x128x128xf32, #tpu.memory_space<vmem>> -> memref<128x128xf32, #tpu.memory_space<vmem>>
      %dma_wait3A_165 = arith.constant 0 : i32
      %dma_wait3A_166 = tpu.memref_slice %arg4[%run_scoped3A_145, %mul3A_2, %dma_wait3A_165] : memref<50x4096x128xf32, #tpu.memory_space<hbm>> -> memref<1x128x128xf32, #tpu.memory_space<hbm>>
      %dma_wait3A_167 = tpu.memref_squeeze %dma_wait3A_166 : memref<1x128x128xf32, #tpu.memory_space<hbm>> -> memref<128x128xf32, #tpu.memory_space<hbm>>
      %dma_wait3A_168 = arith.constant 0 : i32
      %dma_wait3A_169 = tpu.memref_slice %arg4[%run_scoped3A_145, %mul3A_2, %dma_wait3A_168] : memref<50x4096x128xf32, #tpu.memory_space<hbm>> -> memref<1x128x128xf32, #tpu.memory_space<hbm>>
      %dma_wait3A_170 = tpu.memref_squeeze %dma_wait3A_169 : memref<1x128x128xf32, #tpu.memory_space<hbm>> -> memref<128x128xf32, #tpu.memory_space<hbm>>
      %dma_wait3A_171 = arith.constant 0 : i32
      %dma_wait3A_172 = arith.constant 0 : i32
      %dma_wait3A_173 = tpu.memref_slice %arg6[%run_scoped3A_144, %dma_wait3A_171, %dma_wait3A_172] : memref<5x128x128xf32, #tpu.memory_space<vmem>> -> memref<1x128x128xf32, #tpu.memory_space<vmem>>
      %dma_wait3A_174 = tpu.memref_squeeze %dma_wait3A_173 : memref<1x128x128xf32, #tpu.memory_space<vmem>> -> memref<128x128xf32, #tpu.memory_space<vmem>>
      tpu.wait_dma2 semaphore(%run_scoped3A_146 : memref<!tpu.dma_semaphore, #tpu.memory_space<semaphore_mem>>) src(%dma_wait3A_174 : memref<128x128xf32, #tpu.memory_space<vmem>>) dst(%dma_wait3A_170 : memref<128x128xf32, #tpu.memory_space<hbm>>)
      tpu.yield
    }) : () -> ()
    return
  }
}

</mosaic_0001>

<sc_bundles>
// kernel: _lookup.3.cloned.1.call-start
scs
__scs_entry_jumppad:
0x0: {  	(pc) =	sbr.rel $0x88, $3  }
0x1: {  	(tag) =	ssettag $0x0;
	lr =	simm.s32 $0x1  }
0x2: {  	[smem:$0x3F9F] =	sst lr;
	_ =	strace $0xD0000000  }
0x3: {  	_ = 	snop  }
0x4: {  	_ = 	snop  }
0x5: {  	_ = 	snop  }
0x6: {  	_ = 	snop  }
0x7: {  	_ = 	snop  }
__scs_overlays_trampoline_lowered:
0x8: {  	[smem:$0x3FAE] =	sst s0  }
0x9: {  	[smem:$0x3FAF] =	sst s1  }
0xa: {  	[smem:$0x3FB0] =	sst s2  }
0xb: {  	[smem:$0x3FB1] =	sst s3  }
0xc: {  	[smem:$0x3FB2] =	sst s4  }
0xd: {  	[smem:$0x3FB3] =	sst s5  }
0xe: {  	[smem:$0x3FB4] =	sst s6  }
0xf: {  	[smem:$0x3FB5] =	sst s7  }
0x10: {  	[smem:$0x3FB6] =	sst s8  }
0x11: {  	[smem:$0x3FB7] =	sst s9;
	s0 =	simm.s32 @!p0 $0x0  }
0x12: {  	s1 =	sld [smem:$0x3F9D];
	s0 =	simm.s32 @p0 $0x1  }
0x13: {  	[smem:$0x3FB8] =	sst s0;
	s0 =	simm.s32 @!p1 $0x0  }
0x14: {  	s2 =	sld [smem:$0x3F9C];
	s0 =	simm.s32 @p1 $0x1  }
0x15: {  	[smem:$0x3FB9] =	sst s0;
	s0 =	simm.s32 @!p2 $0x0  }
0x16: {  	s3 =	sld [smem:$0x3FDB];
	s0 =	simm.s32 @p2 $0x1  }
0x17: {  	s4 =	simm.s32 $0x1BF5;
	[smem:$0x3FBB] =	sst s0  }
0x18: {  	s0 =	sld [smem:$0x3F9E];
	_ =	swait.ge [sflag:s4], $0x0  }
0x19: {  	s7 =	sld [smem:$0x3F9F]  }
0x1a: {  	s8 =	sadd.s32 $0xFFFFE003, lr  }
0x1b: {  	s9 =	sadd.s32 $0xFFFFFEF7, lr;
	s5 =	simm.s32 $0xFFFFFFFF;
	p2 =	slt.u32 s8, $0xFFFFF086  }
0x1c: {  	p1 =	slt.u32 s9, $0xF7A;
	s5 =	simm.s32 @!p2 $0x0  }
0x1d: {  	s5 =	simm.s32 @p1 $0x1;
	p0 =	seq.s32 s7, s2  }
0x1e: {  	s7 =	smul.u32 @!p0 $0xF7A, s2;
	p2 =	seq.s32 @!p0 s5, $0x0  }
0x1f: {  	s9 =	smul.u32 $0xF7A, s1;
	s8 =	simm.s32 @!p0 $0x1BF5;
	p2 =	por !p2, p0  }
0x20: {  	[sflag:s8] =	ssyncset.s32 @!p0 $0xFFFFF086;
	s6 =	sadd.s32 @!p0 s3, s7;
	s7 =	simm.s32 @!p0 $0x108  }
0x21: {  	s3 =	sadd.s32 s3, s9;
	s6 =	sadd.s32 @!p0 $0x88, s6;
	s7 =	simm.s32 @p2 $0x1082  }
0x22: {  	[simem:s7], [sflag:s8] =	dma.local @!p0 [hbm:s6], $0xF7A  }
0x23: {  	s9 =	sor.u32 $0xD0000000, s2;
	s6 =	simm.s32 $0x108;
	_ =	swait.ge @!p0 [sflag:s8], $0x0  }
0x24: {  	s3 =	sadd.s32 $0x88, s3;
	s6 =	simm.s32 @!p1 $0x1082;
	[sflag:s4] =	ssyncset.s32 $0xFFFFF086  }
0x25: {  	[simem:s6], [sflag:s4] =	dma.local [hbm:s3], $0xF7A  }
0x26: {  	[smem:$0x3F9F] =	sst s1;
	(tag) =	ssettag s2;
	_ =	strace s9  }
0x27: {  	s1 =	sld [smem:$0x3FAF]  }
0x28: {  	s2 =	sld [smem:$0x3FB0]  }
0x29: {  	s4 =	sld [smem:$0x3FB2]  }
0x2a: {  	p0 =	seq.s32 s5, $0x0;
	s5 =	sld [smem:$0x3FB3]  }
0x2b: {  	s6 =	sld [smem:$0x3FB4]  }
0x2c: {  	s7 =	sld [smem:$0x3FB5]  }
0x2d: {  	s3 =	simm.s32 $0x108;
	s8 =	sld [smem:$0x3FB6]  }
0x2e: {  	s3 =	simm.s32 @!p0 $0x1082;
	s9 =	sld [smem:$0x3FB7]  }
0x2f: {  	lr =	sadd.s32 s0, s3;
	s0 =	sld [smem:$0x3FAE]  }
0x30: {  	s3 =	sld [smem:$0x3FB1]  }
0x31: {  	[smem:$0x3FBA] =	sst s10  }
0x32: {  	s10 =	sld [smem:$0x3FB8];
	_ =	sdelay $0x3  }
0x33: {  	p0 =	seq.s32 s10, $0x1;
	s10 =	sld [smem:$0x3FBA];
	_ =	sdelay $0x3  }
0x34: {  	[smem:$0x3FBA] =	sst s10  }
0x35: {  	s10 =	sld [smem:$0x3FB9];
	_ =	sdelay $0x3  }
0x36: {  	p1 =	seq.s32 s10, $0x1;
	s10 =	sld [smem:$0x3FBA];
	_ =	sdelay $0x3  }
0x37: {  	[smem:$0x3FBA] =	sst s10  }
0x38: {  	s10 =	sld [smem:$0x3FBB]  }
0x39: {  	_ = 	snop;
	(pc) =	sbr.ind lr, $3  }
0x3a: {  	_ = 	snop  }
0x3b: {  	_ = 	snop  }
0x3c: {  	p2 =	seq.s32 s10, $0x1;
	s10 =	sld [smem:$0x3FBA]  }
0x3d: {  	_ =	shalt  }
0x3e: {  	_ =	shalt  }
0x3f: {  	_ =	shalt  }
0x40: {  	_ =	shalt  }
0x41: {  	_ =	shalt  }
0x42: {  	_ =	shalt  }
0x43: {  	_ =	shalt  }
0x44: {  	_ =	shalt  }
0x45: {  	_ =	shalt  }
0x46: {  	_ =	shalt  }
0x47: {  	_ =	shalt  }
0x48: {  	_ =	shalt  }
0x49: {  	_ =	shalt  }
0x4a: {  	_ =	shalt  }
0x4b: {  	_ =	shalt  }
0x4c: {  	_ =	shalt  }
0x4d: {  	_ =	shalt  }
0x4e: {  	_ =	shalt  }
0x4f: {  	_ =	shalt  }
0x50: {  	_ =	shalt  }
0x51: {  	_ =	shalt  }
0x52: {  	_ =	shalt  }
0x53: {  	_ =	shalt  }
0x54: {  	_ =	shalt  }
0x55: {  	_ =	shalt  }
0x56: {  	_ =	shalt  }
0x57: {  	_ =	shalt  }
0x58: {  	_ =	shalt  }
0x59: {  	_ =	shalt  }
0x5a: {  	_ =	shalt  }
0x5b: {  	_ =	shalt  }
0x5c: {  	_ =	shalt  }
0x5d: {  	_ =	shalt  }
0x5e: {  	_ =	shalt  }
0x5f: {  	_ =	shalt  }
0x60: {  	_ =	shalt  }
0x61: {  	_ =	shalt  }
0x62: {  	_ =	shalt  }
0x63: {  	_ =	shalt  }
0x64: {  	_ =	shalt  }
0x65: {  	_ =	shalt  }
0x66: {  	_ =	shalt  }
0x67: {  	_ =	shalt  }
0x68: {  	_ =	shalt  }
0x69: {  	_ =	shalt  }
0x6a: {  	_ =	shalt  }
0x6b: {  	_ =	shalt  }
0x6c: {  	_ =	shalt  }
0x6d: {  	_ =	shalt  }
0x6e: {  	_ =	shalt  }
0x6f: {  	_ =	shalt  }
0x70: {  	_ =	shalt  }
0x71: {  	_ =	shalt  }
0x72: {  	_ =	shalt  }
0x73: {  	_ =	shalt  }
0x74: {  	_ =	shalt  }
0x75: {  	_ =	shalt  }
0x76: {  	_ =	shalt  }
0x77: {  	_ =	shalt  }
0x78: {  	_ =	shalt  }
0x79: {  	_ =	shalt  }
0x7a: {  	_ =	shalt  }
0x7b: {  	_ =	shalt  }
0x7c: {  	_ =	shalt  }
0x7d: {  	_ =	shalt  }
0x7e: {  	_ =	shalt  }
0x7f: {  	_ =	shalt  }
0x80: {  	_ =	shalt  }
0x81: {  	_ =	shalt  }
0x82: {  	_ =	shalt  }
0x83: {  	_ =	shalt  }
0x84: {  	_ =	shalt  }
0x85: {  	_ =	shalt  }
0x86: {  	_ =	shalt  }
0x87: {  	_ =	shalt  }
.Lfunc_end0:
.L_simem_size_0:
called_computation_lowered:
.L_overlay_start_0:
0x88: {  	s2 =	sld [smem:$0x3FD9]  }
0x89: {  	s3 =	sld [smem:$0x3FFE];
	_ =	sdelay $0x1  }
0x8a: {  	s1 =	srdreg.scid  }
0x8b: {  	s0 =	sand.u32 $0x1, s1  }
0x8c: {  	s18 =	sshll.u32 s0, $0xA;
	s2 =	sadd.s32 s3, s2  }
0x8d: {  	s2 =	sadd.s32 s2, s18  }
0x8e: {  	[smem:$0x3FC6] =	sst s2  }
0x8f: {  	_ = 	snop  }
0x90: {  	s2 =	sld [smem:$0x3FC9]  }
0x91: {  	s19 =	sld [smem:$0x3FC8]  }
0x92: {  	s4 =	sld [smem:$0x3FD0];
	(tm) =	ssettm $0x1  }
0x93: {  	s5 =	sld [smem:$0x3FFB];
	_ =	sdelay $0x3  }
0x94: {  	_ =	strace s5  }
0x95: {  	s5 =	sld [smem:$0x3FFC];
	_ =	sdelay $0x3  }
0x96: {  	_ =	strace s5  }
0x97: {  	s5 =	sld [smem:$0x3FFD];
	_ =	sdelay $0x3  }
0x98: {  	_ =	strace s5  }
0x99: {  	_ =	strace $0x8FFFFFFF  }
0x9a: {  	s20 =	sld [smem:$0x3FDB];
	_ =	sdelay $0x1  }
0x9b: {  	s6 =	simm.s32 $_scs_section_size  }
0x9c: {  	s7 =	simm.s32 $_size__tile_overlayer_lowered;
	s8 =	simm.s32 $_tile_overlayer_lowered  }
0x9d: {  	s23 =	simm.s32 $0x1BFF;
	s22 =	sshll.u32 s8, $0x1;
	s5 =	sadd.s32 s6, s20  }
0x9e: {  	s9 =	simm.s32 $0x0;
	s21 =	sshll.u32 s7, $0x1;
	s7 =	sadd.s32 s22, s5  }
0x9f: {  	[timem:s9], [sflag:s23] =	dma.local [hbm:s7], s21  }
0xa0: {  	_ =	swait.ge [sflag:s23], s21  }
0xa1: {  	s6 =	ssub.s32 $0x0, s21;
	[sflag:s23] =	ssyncset.done $0x0  }
0xa2: {  	[sflag:s23] =	ssyncadd.s32 s6;
	_ =	sdelay $0x1  }
0xa3: {  	s24 =	simm.s32 $0x1B8B  }
0xa4: {  	_ =	swait.ge [sflag:s24], $0x1  }
0xa5: {  	[sflag:s24] =	ssyncset.done $0x0  }
0xa6: {  	s25 =	simm.s32 $0x1B8E;
	[sflag:s24] =	ssyncadd.s32 $0xFFFFFFFF  }
0xa7: {  	s26 =	simm.s32 $execute0_lowered;
	[smem:$0x3FD2] =	sst s25  }
0xa8: {  	s6 =	sshll.u32 s26, $0x1;
	_ =	strace $0x80000046;
	[dreg:$0x1] =	wrdreg $0xFFFFFFFF  }
0xa9: {  	s28 =	simm.s32 $_size_execute0_lowered;
	s5 =	sadd.s32 s5, s6;
	[dreg:$0x0] =	wrdreg $0x0  }
0xaa: {  	s6 =	sshll.u32 s28, $0x1;
	[dreg:$0x2] =	wrdreg s5  }
0xab: {  	[dreg:$0x3] =	wrdreg s6  }
0xac: {  	[dreg:$0x4] =	wrdreg $0xC0  }
0xad: {  	_ =	task [dreg:s9], $0x5FFFF  }
0xae: {  	[dreg:$0x1] =	wrdreg $0xFFFFFFFF  }
0xaf: {  	[dreg:$0x0] =	wrdreg $0x60  }
0xb0: {  	[dreg:$0x2] =	wrdreg s19  }
0xb1: {  	[dreg:$0x3] =	wrdreg s2  }
0xb2: {  	[dreg:$0x4] =	wrdreg s4  }
0xb3: {  	[dreg:$0x5] =	wrdreg $0x15C000  }
0xb4: {  	[dreg:$0x6] =	wrdreg $0x9  }
0xb5: {  	_ =	task.clear_ibuf [dreg:s9], $0x7FFFF;
	_ =	strace $0x90000046  }
0xb6: {  	s29 =	simm.s32 $0x9;
	_ =	strace $0x80000048  }
0xb7: {  	_ =	swait.ge [sflag:s29], $0x1  }
0xb8: {  	[sflag:s29] =	ssyncadd.s32 $0xFFFFFFFF  }
0xb9: {  	_ =	strace $0x90000048  }
0xba: {  	_ =	sfence  }
0xbb: {  	s30 =	sld [smem:$0x0];
	_ =	sdelay $0x2  }
0xbc: {  	s31 =	sshll.u32 s1, $0xD;
	s1 =	sshrl.u32 s1, $0x2  }
0xbd: {  	s3 =	sand.u32 $0x4000, s31;
	s1 =	sadd.s32 s1, s30  }
0xbe: {  	s0 =	sor.u32 s3, s0;
	s1 =	sshll.u32 s1, $0x11  }
0xbf: {  	s0 =	sor.u32 s1, s0  }
0xc0: {  	s0 =	sadd.s32 $0x8F2B, s0  }
0xc1: {  	[sflag:s0] =	ssyncadd.remote.s32 $0x1  }
0xc2: {  	_ =	sfence.sel $0xFFFF  }
0xc3: {  	[dreg:$0x0] =	wrdreg $0xFFFFFFFF;
	(pc) =	sbr.abs _section_cstart, $3  }
0xc4: {  	[dreg:$0x1] =	wrdreg $0xFFFFFFFF  }
0xc5: {  	_ =	task.clear_ibuf [dreg:s9], $0x2FFFF;
	_ =	strace $0x9FFFFFFF  }
0xc6: {  	(tm) =	ssettm $0x7FFFFFFF  }
0xc7: {  	_ =	shalt  }
tec
execute0_lowered:
.L_overlay_start_1:
0x0: {  	(tag) =	ssettag $0x1  }
0x1: {  	s0 =	rddreg [dreg:$0x0]  }
0x2: {  	s2 =	rddreg [dreg:$0x1]  }
0x3: {  	s4 =	rddreg [dreg:$0x2]  }
0x4: {  	s3 =	srdreg.scid;
	s1 =	rddreg [dreg:$0x3]  }
0x5: {  	s12 =	stileid.u32;
	s28 =	simm.s32 $0x5C00;
	s30 =	simm.s32 $0x9C00  }
0x6: {  	s29 =	simm.s32 $0x3;
	s31 =	simm.s32 $0x4;
	s5 =	sand.u32 $0x1, s3  }
0x7: {  	s3 =	simm.s32 $0x0;
	s8 =	sshll.u32 s12, $0xF;
	s11 =	sshll.u32 s12, $0x8  }
0x8: {  	s13 =	sshll.u32 s12, $0xA;
	p0 =	seq.s32 s12, $0xF;
	s6 =	ssub.s32 $0x2, s5  }
0x9: {  	[smem:$0x7FF] =	sst s3;
	s9 =	sshll.u32 s5, $0x7;
	s10 =	sshrl.u32 s8, $0x2  }
0xa: {  	s17 =	sshll.u32 s5, $0xE;
	p1 =	seq.s32 @!p0 s12, $0x0;
	s7 =	sshrl.u32 s6, $0x1  }
0xb: {  	_ =	strace $0x80000047;
	p1 =	por !p1, p0;
	s7 =	ssub.s32 s6, s7  }
0xc: {  	s6 =	sor.u32 s9, s11;
	s9 =	sadd.s32 s10, s1;
	s10 =	sadd.s32 s0, s13  }
0xd: {  	s0 =	sadd.s32 $0x3C00, s0;
	[dreg:$0x5] =	wrdreg s10;
	s10 =	sadd.s32 $0x1E000, s1  }
0xe: {  	s11 =	sshll.u32 s6, $0x4;
	[dreg:$0x6] =	wrdreg s0;
	s6 =	sadd.s32 s2, s6  }
0xf: {  	s2 =	sor.u32 s17, s8;
	s20 =	smax.u32 s7, $0x1;
	s14 =	sadd.s32 s11, s4  }
0x10: {  	[dreg:$0xc] =	wrdreg s20;
	s21 =	sor.u32 $0x200000, s2;
	s22 =	sor.u32 $0x180000, s2  }
0x11: {  	s23 =	sor.u32 $0x100000, s2;
	s26 =	sor.u32 $0x80000, s2;
	s2 =	sshrl.u32 s2, $0x3  }
0x12: {  	s20 =	sshrl.u32 @!p0 s9, $0x3;
	s15 =	sadd.s32 $0x2D0000, s14;
	s16 =	sadd.s32 $0x2E0000, s14  }
0x13: {  	s18 =	sadd.s32 $0x2F0000, s14;
	s19 =	sadd.s32 $0x300000, s14;
	[dreg:$0x7] =	wrdreg s15  }
0x14: {  	s0 =	sadd.s32 $0x310000, s14;
	s24 =	sshrl.u32 s22, $0x3;
	[dreg:$0x8] =	wrdreg s16  }
0x15: {  	s25 =	sshrl.u32 s23, $0x3;
	s17 =	sadd.s32 s2, s4;
	[dreg:$0x9] =	wrdreg s18  }
0x16: {  	s2 =	sshrl.u32 @p0 s10, $0x3;
	s22 =	simm.s32 $0x1;
	[dreg:$0xa] =	wrdreg s19  }
0x17: {  	s23 =	simm.s32 $0x2;
	[dreg:$0xb] =	wrdreg s0;
	s0 =	sshrl.u32 s21, $0x3  }
0x18: {  	s14 =	sadd.s32 s24, s4;
	s15 =	sadd.s32 s25, s4;
	[dreg:$0xd] =	wrdreg s2  }
0x19: {  	s24 =	simm.s32 $0x6;
	s25 =	simm.s32 $0x80;
	s21 =	simm.s32 $0x11C00  }
0x1a: {  	s2 =	simm.s32 $0x5;
	s13 =	sadd.s32 s0, s4;
	s0 =	sshrl.u32 s26, $0x3  }
0x1b: {  	s26 =	simm.s32 $0x1C00;
	s16 =	sadd.s32 s0, s4;
	s0 =	sshll.u32 @!p0 s12, $0x6  }
0x1c: {  	s4 =	simm.s32 $0x0;
	s19 =	sor.u32 @!p0 $0x1C06, s0;
	s0 =	simm.s32 $0xDC00  }
.LBB2_1:
0x1d: {  	s7 =	rddreg [dreg:$0x6]  }
0x1e: {  	s5 =	simm.s32 @p0 $0x1FC6;
	s8 =	rddreg [dreg:$0xd]  }
0x1f: {  	[spmem:s8], [sflag:s5] =	dma.local @p0 [hbm:s7], $0x280  }
0x20: {  	s5 =	simm.s32 @p0 $0x6  }
0x21: {  	_ =	swait.ge @p0 [sflag:s5], $0x280  }
0x22: {  	[sflag:s5] =	ssyncset.done @p0 $0x0  }
0x23: {  	[sflag:s5] =	ssyncadd.s32 @p0 $0xFFFFFD80;
	s5 =	rddreg [dreg:$0x5]  }
0x24: {  	[spmem:s20], [sflag:s19] =	dma.local @!p0 [hbm:s5], $0x400  }
0x25: {  	s5 =	simm.s32 @!p0 $0x6  }
0x26: {  	_ =	swait.ge @!p0 [sflag:s5], $0x400  }
0x27: {  	[sflag:s5] =	ssyncset.done @!p0 $0x0  }
0x28: {  	v0 =	vimm.f32 @!p1 $0.0e+00;
	[sflag:s5] =	ssyncadd.s32 @!p0 $0xFFFFFC00  }
0x29: {  	[tilespmem:$0x1C00] =	vst @!p1 v0  }
0x2a: {  	[tilespmem:$0x1C10] =	vst @!p1 v0  }
0x2b: {  	[tilespmem:$0x1C20] =	vst @!p1 v0  }
0x2c: {  	[tilespmem:$0x1C30] =	vst @!p1 v0  }
0x2d: {  	[tilespmem:$0x1C40] =	vst @!p1 v0  }
0x2e: {  	[tilespmem:$0x1C50] =	vst @!p1 v0  }
0x2f: {  	[tilespmem:$0x1C60] =	vst @!p1 v0  }
0x30: {  	s5 =	simm.s32 @!p1 $0x1C00;
	[tilespmem:$0x1C70] =	vst @!p1 v0  }
0x31: {  	[spmem:s1] =	stream.linear.scatter @!p1 [tilespmem:s5], [sflag:$0x6], $0x80, $0x38;
	[tilespmem:$0x17B40] =	vst v63  }
0x32: {  	s5 =	simm.s32 @!p1 $0x6  }
0x33: {  	_ =	swait.ge @!p1 [sflag:s5], $0x80  }
0x34: {  	[sflag:s5] =	ssyncset.done @!p1 $0x0  }
0x35: {  	s10 =	simm.s32 $0x400;
	s11 =	simm.s32 $0x8000;
	[sflag:s5] =	ssyncadd.s32 @!p1 $0xFFFFFF80  }
0x36: {  	[tilespmem:s3], [sflag:$0x6] =	stream.strided.gather [hbm4b:s6+s10], $0x1800, s11, s10, $0x38;
	[tilespmem:$0x17B40] =	vst v63  }
0x37: {  	s12 =	sadd.s32 $0x6000, s6;
	s18 =	simm.s32 $0x1800  }
0x38: {  	[tilespmem:s18], [sflag:$0x6] =	stream.linear.gather [hbm4b:s12+s3], $0x100, $0x38;
	[tilespmem:$0x17B40] =	vst v63  }
0x39: {  	_ =	swait.ge [sflag:s24], $0x1900  }
0x3a: {  	[sflag:s24] =	ssyncset.done $0x0  }
0x3b: {  	[sflag:s24] =	ssyncadd.s32 $0xFFFFE700  }
0x3c: {  	[bflag:$0x0] =	sbarrier.arrive $0xFFFF  }
0x3d: {  	[tilespmem:s26], [sflag:$0x1] =	stream.indirect.gather [spmem:s1], $0x80, s3, s25, $0xb8;
	[tilespmem:$0x17B40] =	vst v63  }
0x3e: {  	_ = 	snop  }
0x3f: {  	[tilespmem:s28], [sflag:$0x2] =	stream.indirect.gather [spmem:s1], $0x80, s25, s25, $0xb8;
	[tilespmem:$0x17B40] =	vst v63  }
0x40: {  	s7 =	simm.s32 $0x100  }
0x41: {  	[tilespmem:s30], [sflag:$0x3] =	stream.indirect.gather [spmem:s1], $0x80, s7, s25, $0xb8;
	[tilespmem:$0x17B40] =	vst v63  }
0x42: {  	s8 =	simm.s32 $0x180  }
0x43: {  	[tilespmem:s0], [sflag:$0x4] =	stream.indirect.gather [spmem:s1], $0x80, s8, s25, $0xb8;
	[tilespmem:$0x17B40] =	vst v63  }
0x44: {  	s9 =	simm.s32 $0x200  }
0x45: {  	[tilespmem:s21], [sflag:$0x5] =	stream.indirect.gather [spmem:s1], $0x80, s9, s25, $0xb8;
	[tilespmem:$0x17B40] =	vst v63  }
0x46: {  	_ =	swait.ge [sflag:s22], $0x4000  }
0x47: {  	[sflag:s22] =	ssyncset.done $0x0  }
0x48: {  	[sflag:s22] =	ssyncadd.s32 $0xFFFFC000  }
0x49: {  	[hbm4b:s17+s3] =	stream.linear.scatter [tilespmem:s26], [sflag:$0x6], $0x4000, $0x38;
	[tilespmem:$0x17B40] =	vst v63  }
0x4a: {  	_ =	swait.ge [sflag:s24], $0x4000  }
0x4b: {  	[sflag:s24] =	ssyncset.done $0x0  }
0x4c: {  	s10 =	simm.s32 $0x280;
	[sflag:s24] =	ssyncadd.s32 $0xFFFFC000  }
0x4d: {  	[tilespmem:s26], [sflag:$0x1] =	stream.indirect.gather [spmem:s1], $0x80, s10, s25, $0xb8;
	[tilespmem:$0x17B40] =	vst v63  }
0x4e: {  	_ =	swait.ge [sflag:s23], $0x4000  }
0x4f: {  	[sflag:s23] =	ssyncset.done $0x0  }
0x50: {  	[sflag:s23] =	ssyncadd.s32 $0xFFFFC000  }
0x51: {  	[hbm4b:s16+s3] =	stream.linear.scatter [tilespmem:s28], [sflag:$0x6], $0x4000, $0x38;
	[tilespmem:$0x17B40] =	vst v63  }
0x52: {  	_ =	swait.ge [sflag:s24], $0x4000  }
0x53: {  	[sflag:s24] =	ssyncset.done $0x0  }
0x54: {  	s11 =	simm.s32 $0x300;
	[sflag:s24] =	ssyncadd.s32 $0xFFFFC000  }
0x55: {  	[tilespmem:s28], [sflag:$0x2] =	stream.indirect.gather [spmem:s1], $0x80, s11, s25, $0xb8;
	[tilespmem:$0x17B40] =	vst v63  }
0x56: {  	_ =	swait.ge [sflag:s29], $0x4000  }
0x57: {  	[sflag:s29] =	ssyncset.done $0x0  }
0x58: {  	[sflag:s29] =	ssyncadd.s32 $0xFFFFC000  }
0x59: {  	[hbm4b:s15+s3] =	stream.linear.scatter [tilespmem:s30], [sflag:$0x6], $0x4000, $0x38;
	[tilespmem:$0x17B40] =	vst v63  }
0x5a: {  	_ =	swait.ge [sflag:s24], $0x4000  }
0x5b: {  	[sflag:s24] =	ssyncset.done $0x0  }
0x5c: {  	s12 =	simm.s32 $0x380;
	[sflag:s24] =	ssyncadd.s32 $0xFFFFC000  }
0x5d: {  	[tilespmem:s30], [sflag:$0x3] =	stream.indirect.gather [spmem:s1], $0x80, s12, s25, $0xb8;
	[tilespmem:$0x17B40] =	vst v63  }
0x5e: {  	_ =	swait.ge [sflag:s31], $0x4000  }
0x5f: {  	[sflag:s31] =	ssyncset.done $0x0  }
0x60: {  	[sflag:s31] =	ssyncadd.s32 $0xFFFFC000  }
0x61: {  	[hbm4b:s14+s3] =	stream.linear.scatter [tilespmem:s0], [sflag:$0x6], $0x4000, $0x38;
	[tilespmem:$0x17B40] =	vst v63  }
0x62: {  	_ =	swait.ge [sflag:s24], $0x4000  }
0x63: {  	[sflag:s24] =	ssyncset.done $0x0  }
0x64: {  	s18 =	simm.s32 $0x400;
	[sflag:s24] =	ssyncadd.s32 $0xFFFFC000  }
0x65: {  	[tilespmem:s0], [sflag:$0x4] =	stream.indirect.gather [spmem:s1], $0x80, s18, s25, $0xb8;
	[tilespmem:$0x17B40] =	vst v63  }
0x66: {  	_ =	swait.ge [sflag:s2], $0x4000  }
0x67: {  	[sflag:s2] =	ssyncset.done $0x0  }
0x68: {  	s5 =	simm.s32 $0xA00;
	[sflag:s2] =	ssyncadd.s32 $0xFFFFC000  }
0x69: {  	[hbm4b:s13+s3] =	stream.linear.scatter [tilespmem:s21], [sflag:$0x6], $0x4000, $0x38;
	[tilespmem:$0x17B40] =	vst v63  }
0x6a: {  	s7 =	sadd.s32 $0x50000, s16;
	s8 =	sadd.s32 $0x50000, s17;
	_ =	swait.ge [sflag:s24], $0x4000  }
0x6b: {  	s9 =	sadd.s32 $0x50000, s14;
	s10 =	sadd.s32 $0x50000, s15;
	[sflag:s24] =	ssyncset.done $0x0  }
0x6c: {  	s11 =	sadd.s32 $0x50000, s13;
	s12 =	simm.s32 $0x480;
	[sflag:s24] =	ssyncadd.s32 $0xFFFFC000  }
.LBB2_2:
0x6d: {  	[tilespmem:s21], [sflag:$0x5] =	stream.indirect.gather [spmem:s1], $0x80, s12, s25, $0xb8;
	[tilespmem:$0x17B40] =	vst v63  }
0x6e: {  	s12 =	smov.u32 s5  }
0x6f: {  	p2 =	sne.s32 s5, $0x5000;
	s5 =	sadd.s32 $0xA00, s5;
	_ =	swait.ge [sflag:s22], $0x4000  }
0x70: {  	[sflag:s22] =	ssyncset.done $0x0  }
0x71: {  	[sflag:s22] =	ssyncadd.s32 $0xFFFFC000  }
0x72: {  	[hbm4b:s8+s3] =	stream.linear.scatter [tilespmem:s26], [sflag:$0x6], $0x4000, $0x38;
	[tilespmem:$0x17B40] =	vst v63  }
0x73: {  	_ =	swait.ge [sflag:s24], $0x4000  }
0x74: {  	s12 =	sshra.s32 s12, $0x2;
	[sflag:s24] =	ssyncset.done $0x0  }
0x75: {  	s18 =	sadd.s32 $0x280, s12;
	[sflag:s24] =	ssyncadd.s32 $0xFFFFC000  }
0x76: {  	[tilespmem:s26], [sflag:$0x1] =	stream.indirect.gather [spmem:s1], $0x80, s18, s25, $0xb8;
	[tilespmem:$0x17B40] =	vst v63  }
0x77: {  	_ =	swait.ge [sflag:s23], $0x4000  }
0x78: {  	[sflag:s23] =	ssyncset.done $0x0  }
0x79: {  	[sflag:s23] =	ssyncadd.s32 $0xFFFFC000  }
0x7a: {  	[hbm4b:s7+s3] =	stream.linear.scatter [tilespmem:s28], [sflag:$0x6], $0x4000, $0x38;
	[tilespmem:$0x17B40] =	vst v63  }
0x7b: {  	_ =	swait.ge [sflag:s24], $0x4000  }
0x7c: {  	[sflag:s24] =	ssyncset.done $0x0  }
0x7d: {  	s18 =	sadd.s32 $0x300, s12;
	[sflag:s24] =	ssyncadd.s32 $0xFFFFC000  }
0x7e: {  	[tilespmem:s28], [sflag:$0x2] =	stream.indirect.gather [spmem:s1], $0x80, s18, s25, $0xb8;
	[tilespmem:$0x17B40] =	vst v63  }
0x7f: {  	_ =	swait.ge [sflag:s29], $0x4000  }
0x80: {  	[sflag:s29] =	ssyncset.done $0x0  }
0x81: {  	[sflag:s29] =	ssyncadd.s32 $0xFFFFC000  }
0x82: {  	[hbm4b:s10+s3] =	stream.linear.scatter [tilespmem:s30], [sflag:$0x6], $0x4000, $0x38;
	[tilespmem:$0x17B40] =	vst v63  }
0x83: {  	_ =	swait.ge [sflag:s24], $0x4000  }
0x84: {  	[sflag:s24] =	ssyncset.done $0x0  }
0x85: {  	s18 =	sadd.s32 $0x380, s12;
	[sflag:s24] =	ssyncadd.s32 $0xFFFFC000  }
0x86: {  	[tilespmem:s30], [sflag:$0x3] =	stream.indirect.gather [spmem:s1], $0x80, s18, s25, $0xb8;
	[tilespmem:$0x17B40] =	vst v63  }
0x87: {  	_ =	swait.ge [sflag:s31], $0x4000  }
0x88: {  	[sflag:s31] =	ssyncset.done $0x0  }
0x89: {  	[sflag:s31] =	ssyncadd.s32 $0xFFFFC000  }
0x8a: {  	[hbm4b:s9+s3] =	stream.linear.scatter [tilespmem:s0], [sflag:$0x6], $0x4000, $0x38;
	[tilespmem:$0x17B40] =	vst v63  }
0x8b: {  	_ =	swait.ge [sflag:s24], $0x4000  }
0x8c: {  	[sflag:s24] =	ssyncset.done $0x0  }
0x8d: {  	s18 =	sadd.s32 $0x400, s12;
	[sflag:s24] =	ssyncadd.s32 $0xFFFFC000  }
0x8e: {  	[tilespmem:s0], [sflag:$0x4] =	stream.indirect.gather [spmem:s1], $0x80, s18, s25, $0xb8;
	[tilespmem:$0x17B40] =	vst v63  }
0x8f: {  	_ =	swait.ge [sflag:s2], $0x4000  }
0x90: {  	[sflag:s2] =	ssyncset.done $0x0  }
.Ltmp0:
0x91: {  	[sflag:s2] =	ssyncadd.s32 $0xFFFFC000;
	(pc) =	sbr.rel @p2 .LBB2_2-.Ltmp0, $4  }
0x92: {  	[hbm4b:s11+s3] =	stream.linear.scatter [tilespmem:s21], [sflag:$0x6], $0x4000, $0x38;
	[tilespmem:$0x17B40] =	vst v63  }
0x93: {  	s8 =	sadd.s32 $0x50000, s8;
	s7 =	sadd.s32 $0x50000, s7;
	_ =	swait.ge [sflag:s24], $0x4000  }
0x94: {  	s10 =	sadd.s32 $0x50000, s10;
	s9 =	sadd.s32 $0x50000, s9;
	[sflag:s24] =	ssyncset.done $0x0  }
0x95: {  	s12 =	sadd.s32 $0x480, s12;
	s11 =	sadd.s32 $0x50000, s11;
	[sflag:s24] =	ssyncadd.s32 $0xFFFFC000  }
0x96: {  	[tilespmem:s21], [sflag:$0x5] =	stream.indirect.gather [spmem:s1], $0x80, s12, s25, $0xb8;
	[tilespmem:$0x17B40] =	vst v63  }
0x97: {  	_ =	swait.ge [sflag:s22], $0x4000  }
0x98: {  	[sflag:s22] =	ssyncset.done $0x0  }
0x99: {  	s5 =	rddreg [dreg:$0x7];
	[sflag:s22] =	ssyncadd.s32 $0xFFFFC000  }
0x9a: {  	[hbm4b:s5+s3] =	stream.linear.scatter [tilespmem:s26], [sflag:$0x6], $0x4000, $0x38;
	[tilespmem:$0x17B40] =	vst v63  }
0x9b: {  	_ =	swait.ge [sflag:s24], $0x4000  }
0x9c: {  	[sflag:s24] =	ssyncset.done $0x0  }
0x9d: {  	[sflag:s24] =	ssyncadd.s32 $0xFFFFC000  }
0x9e: {  	_ =	swait.ge [sflag:s23], $0x4000  }
0x9f: {  	[sflag:s23] =	ssyncset.done $0x0  }
0xa0: {  	s9 =	rddreg [dreg:$0x8];
	[sflag:s23] =	ssyncadd.s32 $0xFFFFC000  }
0xa1: {  	[hbm4b:s9+s3] =	stream.linear.scatter [tilespmem:s28], [sflag:$0x6], $0x4000, $0x38;
	[tilespmem:$0x17B40] =	vst v63  }
0xa2: {  	_ =	swait.ge [sflag:s24], $0x4000  }
0xa3: {  	[sflag:s24] =	ssyncset.done $0x0  }
0xa4: {  	[sflag:s24] =	ssyncadd.s32 $0xFFFFC000  }
0xa5: {  	_ =	swait.ge [sflag:s29], $0x4000  }
0xa6: {  	[sflag:s29] =	ssyncset.done $0x0  }
0xa7: {  	s10 =	rddreg [dreg:$0x9];
	[sflag:s29] =	ssyncadd.s32 $0xFFFFC000  }
0xa8: {  	[hbm4b:s10+s3] =	stream.linear.scatter [tilespmem:s30], [sflag:$0x6], $0x4000, $0x38;
	[tilespmem:$0x17B40] =	vst v63  }
0xa9: {  	_ =	swait.ge [sflag:s24], $0x4000  }
0xaa: {  	[sflag:s24] =	ssyncset.done $0x0  }
0xab: {  	[sflag:s24] =	ssyncadd.s32 $0xFFFFC000  }
0xac: {  	_ =	swait.ge [sflag:s31], $0x4000  }
0xad: {  	[sflag:s31] =	ssyncset.done $0x0  }
0xae: {  	s11 =	rddreg [dreg:$0xa];
	[sflag:s31] =	ssyncadd.s32 $0xFFFFC000  }
0xaf: {  	[hbm4b:s11+s3] =	stream.linear.scatter [tilespmem:s0], [sflag:$0x6], $0x4000, $0x38;
	[tilespmem:$0x17B40] =	vst v63  }
0xb0: {  	_ =	swait.ge [sflag:s24], $0x4000  }
0xb1: {  	[sflag:s24] =	ssyncset.done $0x0  }
0xb2: {  	[sflag:s24] =	ssyncadd.s32 $0xFFFFC000  }
0xb3: {  	_ =	swait.ge [sflag:s2], $0x4000  }
0xb4: {  	[sflag:s2] =	ssyncset.done $0x0  }
0xb5: {  	s12 =	rddreg [dreg:$0xb];
	[sflag:s2] =	ssyncadd.s32 $0xFFFFC000  }
0xb6: {  	[hbm4b:s12+s3] =	stream.linear.scatter [tilespmem:s21], [sflag:$0x6], $0x4000, $0x38;
	[tilespmem:$0x17B40] =	vst v63  }
0xb7: {  	_ =	swait.ge [sflag:s24], $0x4000  }
0xb8: {  	s4 =	sadd.s32 $0x1, s4;
	s18 =	rddreg [dreg:$0xc]  }
0xb9: {  	p2 =	sne.s32 s4, s18  }
.Ltmp1:
0xba: {  	_ = 	snop;
	(pc) =	sbr.rel @p2 .LBB2_1-.Ltmp1, $3  }
0xbb: {  	_ =	sdelay $0x1  }
0xbc: {  	[sflag:s24] =	ssyncset.done $0x0  }
0xbd: {  	[sflag:s24] =	ssyncadd.s32 $0xFFFFC000  }
0xbe: {  	_ =	sfence.sel $0x180000  }
0xbf: {  	[bflag:$0x0] =	sbarrier.arrive $0xFFFF  }
0xc0: {  	_ =	strace $0x90000047  }
0xc1: {  	s0 =	stileid.u32;
	[bflag:$0x2] =	sbarrier.arrive $0xFFFF  }
0xc2: {  	p0 =	sne.s32 s0, $0x0;
	s0 =	rddreg [dreg:$0x4]  }
0xc3: {  	s0 =	sadd.s32 @!p0 $0x100000, s0  }
0xc4: {  	[sflag:s0] =	ssyncadd.tile.s32 @!p0 $0x1;
	_ =	shalt  }
.Lfunc_end2:
_tile_overlayer_lowered:
.L_overlay_start_2:
0xc5: {  	(tag) =	ssettag $0x2  }
0xc6: {  	s0 =	rddreg [dreg:$0x0];
	s2 =	stileid.u32  }
0xc7: {  	s1 =	rddreg [dreg:$0x1];
	p0 =	sne.s32 s2, $0x0  }
0xc8: {  	s3 =	rddreg [dreg:$0x2];
	[bflag:$0x3] =	sbarrier.arrive $0xFFFF;
	s2 =	simm.s32 @!p0 $0x1C06  }
0xc9: {  	[timem:s3], [sflag:s2] =	dma.local @!p0 [hbm:s0], s1  }
0xca: {  	s0 =	simm.s32 @!p0 $0x6  }
0xcb: {  	_ =	swait.ge @!p0 [sflag:s0], s1  }
0xcc: {  	s1 =	ssub.s32 @!p0 $0x0, s1;
	[sflag:s0] =	ssyncset.done @!p0 $0x0  }
0xcd: {  	[sflag:s0] =	ssyncadd.s32 @!p0 s1  }
0xce: {  	[bflag:$0x3] =	sbarrier.arrive $0xFFFF  }
0xcf: {  	_ =	shalt  }

</sc_bundles>
